<compile_context>
chip_gen: v7x
topology: tpu7x:2x2x1
jax: 0.10.2.dev20260603
libtpu: 0.0.44.dev20260713+nightly
codegen_flags: <defaults>
</compile_context>

<pallas_src>
import numpy as np
import jax
import jax.numpy as jnp
from jax import lax
from jax.experimental import pallas as pl
from jax.experimental.pallas import tpu as pltpu
from jax.experimental.pallas import tpu_sc as plsc

B, Q, K, C = 8, 1024, 128, 3
NPAIR = B * K
NROW = 7 + 7 + C
O_R, O_E, O_L = 0, 7 * NPAIR, 14 * NPAIR
OUT = NROW * NPAIR

ALPHA = 0.25
SIGMA2 = 9.0
TWO_PI = 2.0 * np.pi


BPW = 7 * NPAIR // 32
LPW = C * NPAIR // 32


def _sc_gather_body(rois_hbm, regs_hbm, log_hbm, src_hbm, out_hbm,
                    src_v, idxb_v, idxl_v, bufr_v, bufe_v, bufl_v, sem):
    w = lax.axis_index("s") * 2 + lax.axis_index("c")
    pltpu.sync_copy(src_hbm, src_v)
    gb = w * BPW
    gl = w * LPW

    def build(c, idx_ref, g0):
        g = g0 + 16 * c
        f = g >> 10
        p0 = g - (f << 10)
        b128 = (p0 >> 7) << 7
        s = src_v[pl.ds(p0, 16)]
        idx_ref[pl.ds(16 * c, 16)] = ((s >> 7) * 1024 + (s & 127)) \
            + (f * (B * Q) + b128)

    lax.fori_loop(0, BPW // 16, lambda c, _: (build(c, idxb_v, gb), 0)[1], 0)
    lax.fori_loop(0, LPW // 16, lambda c, _: (build(c, idxl_v, gl), 0)[1], 0)
    c1 = pltpu.async_copy(rois_hbm.at[idxb_v], bufr_v, sem)
    c2 = pltpu.async_copy(regs_hbm.at[idxb_v], bufe_v, sem)
    c3 = pltpu.async_copy(log_hbm.at[idxl_v], bufl_v, sem)
    c1.wait()
    c2.wait()
    c3.wait()
    pltpu.sync_copy(bufr_v, out_hbm.at[pl.ds(O_R + gb, BPW)])
    pltpu.sync_copy(bufe_v, out_hbm.at[pl.ds(O_E + gb, BPW)])
    pltpu.sync_copy(bufl_v, out_hbm.at[pl.ds(O_L + gl, LPW)])


_sc_gather = pl.kernel(
    _sc_gather_body,
    out_type=jax.ShapeDtypeStruct((OUT,), jnp.float32),
    mesh=plsc.VectorSubcoreMesh(core_axis_name="c", subcore_axis_name="s"),
    compiler_params=pltpu.CompilerParams(use_tc_tiling_on_sc=False),
    scratch_types=[
        pltpu.VMEM((NPAIR,), jnp.int32),
        pltpu.VMEM((BPW,), jnp.int32),
        pltpu.VMEM((LPW,), jnp.int32),
        pltpu.VMEM((BPW,), jnp.float32),
        pltpu.VMEM((BPW,), jnp.float32),
        pltpu.VMEM((LPW,), jnp.float32),
        pltpu.SemaphoreType.DMA,
    ],
)


def _mod2pi(x):
    return x - jnp.floor(x * (1.0 / TWO_PI)) * TWO_PI


def _tc_dense_body(log_ref, out_ref):
    x = log_ref[...]
    p = 1.0 / (1.0 + jnp.exp(-x))
    bce0 = jnp.maximum(x, 0.0) + jnp.log(1.0 + jnp.exp(-jnp.abs(x)))
    out_ref[0, 0] = jnp.sum((1.0 - ALPHA) * p * p * bce0)


def _tc_loss_body(gt_ref, sc_ref, cls_ref, dsum_ref, out_ref):
    dsum = dsum_ref[0, 0]

    def row(basev, f):
        return sc_ref[pl.ds(basev + f * NPAIR, NPAIR)]

    def gt_row(f):
        return gt_ref[pl.ds(f * NPAIR, NPAIR)]

    cls = cls_ref[...].astype(jnp.float32)
    xm = (row(O_L, 0) * (cls == 0.0) + row(O_L, 1) * (cls == 1.0)
          + row(O_L, 2) * (cls == 2.0))
    pm = 1.0 / (1.0 + jnp.exp(-xm))
    bm = jnp.maximum(xm, 0.0) + jnp.log(1.0 + jnp.exp(-jnp.abs(xm)))
    omp = 1.0 - pm
    csum = jnp.sum(ALPHA * omp * omp * (bm - xm) - (1.0 - ALPHA) * pm * pm * bm)
    loss_ce = (dsum + csum) * (1.0 / float(NPAIR))

    roi_ry = _mod2pi(row(O_R, 6))
    dx = gt_row(0) - row(O_R, 0)
    dy = gt_row(1) - row(O_R, 1)
    lz = gt_row(2) - row(O_R, 2)
    ca = jnp.cos(roi_ry)
    sa = jnp.sin(roi_ry)
    lx = dx * ca + dy * sa
    ly = dy * ca - dx * sa
    h = _mod2pi(gt_row(6) - roi_ry)
    opp = (h > np.pi * 0.5) & (h < np.pi * 1.5)
    h = jnp.where(opp, _mod2pi(h + np.pi), h)
    h = jnp.where(h > np.pi, h - TWO_PI, h)
    h = jnp.clip(h, -np.pi / 2.0, np.pi / 2.0)
    dxa = jnp.maximum(row(O_R, 3), 1e-5)
    dya = jnp.maximum(row(O_R, 4), 1e-5)
    dza = jnp.maximum(row(O_R, 5), 1e-5)
    inv_diag = 1.0 / jnp.sqrt(dxa * dxa + dya * dya)

    def smooth_l1(t, e):
        d = t - e
        ad = jnp.abs(d)
        return jnp.sum(jnp.where(ad < 1.0 / SIGMA2, 0.5 * SIGMA2 * d * d,
                                 ad - 0.5 / SIGMA2))

    bsum = (smooth_l1(lx * inv_diag, row(O_E, 0))
            + smooth_l1(ly * inv_diag, row(O_E, 1))
            + smooth_l1(lz / dza, row(O_E, 2))
            + smooth_l1(jnp.log(jnp.maximum(gt_row(3), 1e-5) / dxa), row(O_E, 3))
            + smooth_l1(jnp.log(jnp.maximum(gt_row(4), 1e-5) / dya), row(O_E, 4))
            + smooth_l1(jnp.log(jnp.maximum(gt_row(5), 1e-5) / dza), row(O_E, 5))
            + smooth_l1(h, row(O_E, 6)))
    out_ref[0, 0] = loss_ce + 2.0 * bsum * (1.0 / float(NPAIR))


def _tc_dense(log_f):
    return pl.pallas_call(
        _tc_dense_body,
        out_shape=jax.ShapeDtypeStruct((1, 1), jnp.float32),
        out_specs=pl.BlockSpec(memory_space=pltpu.SMEM),
    )(log_f)


def _tc_loss(gt_f, sc_out, cls1, dsum):
    return pl.pallas_call(
        _tc_loss_body,
        out_shape=jax.ShapeDtypeStruct((1, 1), jnp.float32),
        in_specs=[
            pl.BlockSpec(memory_space=pltpu.VMEM),
            pl.BlockSpec(memory_space=pltpu.VMEM),
            pl.BlockSpec(memory_space=pltpu.VMEM),
            pl.BlockSpec(memory_space=pltpu.SMEM),
        ],
        out_specs=pl.BlockSpec(memory_space=pltpu.SMEM),
    )(gt_f, sc_out, cls1, dsum)


def _flat_view(x, nf):
    return x.transpose(2, 0, 1).reshape(nf, B, Q // 128, 128) \
            .transpose(0, 2, 1, 3).reshape(-1)


def kernel(pred_logits, rois, rcnn_regs, gt_boxes, gt_classes, src_idx, tgt_idx):
    del tgt_idx
    rois_f = _flat_view(rois, 7)
    regs_f = _flat_view(rcnn_regs, 7)
    log_f = _flat_view(pred_logits, C)
    gt_f = gt_boxes.transpose(2, 0, 1).reshape(-1)
    src2 = src_idx.reshape(NPAIR)
    cls1 = gt_classes.reshape(NPAIR)
    dsum = _tc_dense(log_f)
    sc_out = _sc_gather(rois_f, regs_f, log_f, src2)
    out = _tc_loss(gt_f, sc_out, cls1, dsum)
    return out[0, 0]

# --- scband reference (transcript-rebuilt; emitter-appended) ---
"""Pipeline reference for scband-set-crit-roi-26259430048597 (READ-ONLY COPY).

The authoritative reference and input builder live on the scoring server;
editing this copy changes nothing except your own understanding.
"""

import jax, jax.numpy as jnp
import numpy as np

GAMMA = 2.0
ALPHA = 0.25
SIGMA = 3.0
W_CE = 1.0
W_BBOX = 2.0
CODE_WEIGHTS = jnp.ones((7,), dtype=jnp.float32)


def rotate_points_along_z(points, angle):
    # points: [N, 1, C>=3], angle: [N]
    cosa = jnp.cos(angle)
    sina = jnp.sin(angle)
    zeros = jnp.zeros_like(angle)
    ones = jnp.ones_like(angle)
    rot = jnp.stack([cosa, sina, zeros, -sina, cosa, zeros, zeros, zeros, ones], axis=1).reshape(-1, 3, 3)
    points_rot = jnp.matmul(points[:, :, 0:3], rot)
    return jnp.concatenate([points_rot, points[:, :, 3:]], axis=-1)


def encode_residual(boxes, anchors):
    # ResidualCoder.encode_torch with encode_angle_by_sincos=False
    xa, ya, za = anchors[:, 0], anchors[:, 1], anchors[:, 2]
    dxa = jnp.clip(anchors[:, 3], 1e-5)
    dya = jnp.clip(anchors[:, 4], 1e-5)
    dza = jnp.clip(anchors[:, 5], 1e-5)
    ra = anchors[:, 6]
    xg, yg, zg = boxes[:, 0], boxes[:, 1], boxes[:, 2]
    dxg = jnp.clip(boxes[:, 3], 1e-5)
    dyg = jnp.clip(boxes[:, 4], 1e-5)
    dzg = jnp.clip(boxes[:, 5], 1e-5)
    rg = boxes[:, 6]
    diagonal = jnp.sqrt(dxa * dxa + dya * dya)
    xt = (xg - xa) / diagonal
    yt = (yg - ya) / diagonal
    zt = (zg - za) / dza
    dxt = jnp.log(dxg / dxa)
    dyt = jnp.log(dyg / dya)
    dzt = jnp.log(dzg / dza)
    rt = rg - ra
    return jnp.stack([xt, yt, zt, dxt, dyt, dzt, rt], axis=-1)


def focal_loss_sum(logits, targets):
    p = jax.nn.sigmoid(logits)
    alpha_w = targets * ALPHA + (1.0 - targets) * (1.0 - ALPHA)
    pt = targets * (1.0 - p) + (1.0 - targets) * p
    bce = jnp.clip(logits, 0.0) - logits * targets + jnp.log1p(jnp.exp(-jnp.abs(logits)))
    return jnp.sum(alpha_w * jnp.power(pt, GAMMA) * bce)


def _forward(pred_logits, rois, rcnn_regs, gt_boxes, gt_classes, src_idx, tgt_idx):
    B, Q, C = pred_logits.shape
    K = src_idx.shape[1]
    batch_ar = jnp.arange(B)[:, None]
    # gather matched preds / gts (sparse gather)
    rois_f = rois[batch_ar, src_idx].reshape(-1, 7)
    regs_f = rcnn_regs[batch_ar, src_idx].reshape(-1, 7)
    gt_f = gt_boxes[batch_ar, tgt_idx].reshape(-1, 7)
    # _get_gt_of_rois
    roi_center = rois_f[:, 0:3]
    roi_ry = rois_f[:, 6] % (2.0 * np.pi)
    gt_shift = jnp.concatenate([gt_f[:, 0:3] - roi_center, gt_f[:, 3:]], axis=-1)
    gt_rot = rotate_points_along_z(gt_shift[:, None, :], -roi_ry)[:, 0, :]
    heading = (gt_rot[:, 6] - roi_ry) % (2.0 * np.pi)
    opp = (heading > np.pi * 0.5) & (heading < np.pi * 1.5)
    heading = jnp.where(opp, (heading + np.pi) % (2.0 * np.pi), heading)
    heading = jnp.where(heading > np.pi, heading - 2.0 * np.pi, heading)
    heading = jnp.clip(heading, -np.pi / 2.0, np.pi / 2.0)
    gt_rot = jnp.concatenate([gt_rot[:, :6], heading[:, None]], axis=-1)
    anch = jax.lax.stop_gradient(rois_f)
    anchors = jnp.concatenate([jnp.zeros_like(anch[:, 0:3]), anch[:, 3:6], jnp.zeros_like(anch[:, 6:7])], axis=-1)
    gt_of_rois = encode_residual(gt_rot, anchors)
    # classification targets via scatter-overwrite
    gt_cls_pos = gt_classes[batch_ar, tgt_idx] + 1
    batch_idx = jnp.broadcast_to(jnp.arange(B)[:, None], (B, K))
    gt_full = jnp.zeros((B, Q), dtype=jnp.int32).at[batch_idx, src_idx].set(gt_cls_pos.astype(jnp.int32))
    one_hot = jax.nn.one_hot(gt_full, C + 1, dtype=jnp.float32)[..., 1:]
    num_boxes = max(float(B * K), 1.0)
    loss_ce = focal_loss_sum(pred_logits, one_hot) / num_boxes
    # smooth-l1 box loss
    diff = gt_of_rois - regs_f
    sigma2 = SIGMA * SIGMA
    ad = jnp.abs(diff)
    loc = jnp.where(ad < 1.0 / sigma2, 0.5 * sigma2 * diff * diff, ad - 0.5 / sigma2) * CODE_WEIGHTS
    num_reg_boxes = max(float(B * K), 1.0)
    loss_bbox = jnp.sum(loc) / num_reg_boxes
    return W_CE * loss_ce + W_BBOX * loss_bbox


def setup_inputs(seed: int = 0):
    key = jax.random.key(seed)
    B, Q, K, C = 8, 1024, 128, 3
    ks = jax.random.split(key, 9)
    pred_logits = jax.random.normal(ks[0], (B, Q, C), dtype=jnp.float32) * 2.0
    xyz = jax.random.uniform(ks[1], (B, Q, 3), minval=-20.0, maxval=20.0)
    dims = jax.random.uniform(ks[2], (B, Q, 3), minval=1.0, maxval=4.0)
    ry = jax.random.uniform(ks[3], (B, Q, 1), minval=-np.pi, maxval=np.pi)
    rois = jnp.concatenate([xyz, dims, ry], axis=-1)
    rcnn_regs = jax.random.normal(ks[4], (B, Q, 7), dtype=jnp.float32) * 0.1
    gxyz = jax.random.uniform(ks[5], (B, K, 3), minval=-20.0, maxval=20.0)
    gdims = jax.random.uniform(ks[6], (B, K, 3), minval=1.0, maxval=4.0)
    gry = jax.random.uniform(ks[7], (B, K, 1), minval=-np.pi, maxval=np.pi)
    gt_boxes = jnp.concatenate([gxyz, gdims, gry], axis=-1)
    gt_classes = jax.random.randint(ks[8], (B, K), 0, C)
    rng = np.random.RandomState(0)
    src_idx = jnp.asarray(np.stack([rng.permutation(Q)[:K] for _ in range(B)]), dtype=jnp.int32)
    tgt_idx = jnp.tile(jnp.arange(K, dtype=jnp.int32)[None, :], (B, 1))
    return {"pred_logits": pred_logits, "rois": rois, "rcnn_regs": rcnn_regs, "gt_boxes": gt_boxes, "gt_classes": gt_classes, "src_idx": src_idx, "tgt_idx": tgt_idx}


def reference(pred_logits, rois, rcnn_regs, gt_boxes, gt_classes, src_idx, tgt_idx):
    return _forward(pred_logits, rois, rcnn_regs, gt_boxes, gt_classes, src_idx, tgt_idx)

if __name__ == "__main__":
    import jax
    _d = setup_inputs()
    print(jax.jit(kernel)(*tuple(_d.values())))

</pallas_src>

<mosaic_0001>
#map = affine_map<(d0, d1) -> (0)>
module attributes {stable_mosaic.version = 14 : i64} {
  func.func @_sc_gather_body(%arg0: i32, %arg1: i32, %arg2: memref<57344xf32, #tpu.memory_space<hbm>>, %arg3: memref<57344xf32, #tpu.memory_space<hbm>>, %arg4: memref<24576xf32, #tpu.memory_space<hbm>>, %arg5: memref<1024xi32, #tpu.memory_space<hbm>>, %arg6: memref<17408xf32, #tpu.memory_space<hbm>>, %arg7: memref<1024xi32, #tpu.memory_space<vmem>>, %arg8: memref<224xi32, #tpu.memory_space<vmem>>, %arg9: memref<96xi32, #tpu.memory_space<vmem>>, %arg10: memref<224xf32, #tpu.memory_space<vmem>>, %arg11: memref<224xf32, #tpu.memory_space<vmem>>, %arg12: memref<96xf32, #tpu.memory_space<vmem>>, %arg13: memref<!tpu.dma_semaphore, #tpu.memory_space<semaphore_mem>>) attributes {dimension_semantics = [#tpu.dimension_semantics<core_parallel>, #tpu.dimension_semantics<subcore_parallel>], iteration_bounds = array<i64: 2, 16>, scalar_prefetch = 0 : i64, scratch_operands = 7 : i64, tpu.core_type = #tpu.core_type<sc_vector_subcore>, window_params = [{transform_indices = #map}, {transform_indices = #map}, {transform_indices = #map}, {transform_indices = #map}, {transform_indices = #map}]} {
    %mul3A = arith.constant 2 : i32
    %mul3A_0 = arith.muli %arg1, %mul3A : i32
    %add3A = arith.addi %mul3A_0, %arg0 : i32
    "tpu.region"() ({
      %run_scoped3A = tpu.sem_alloc : memref<!tpu.dma_semaphore, #tpu.memory_space<semaphore_mem>>
      tpu.enqueue_dma source(%arg5 : memref<1024xi32, #tpu.memory_space<hbm>>) target(%arg7 : memref<1024xi32, #tpu.memory_space<vmem>>) target_semaphore(%run_scoped3A : memref<!tpu.dma_semaphore, #tpu.memory_space<semaphore_mem>>)
      tpu.wait_dma2 semaphore(%run_scoped3A : memref<!tpu.dma_semaphore, #tpu.memory_space<semaphore_mem>>) src(%arg5 : memref<1024xi32, #tpu.memory_space<hbm>>) dst(%arg7 : memref<1024xi32, #tpu.memory_space<vmem>>)
      tpu.yield
    }) : () -> ()
    %mul3A_1 = arith.constant 224 : i32
    %mul3A_2 = arith.muli %add3A, %mul3A_1 : i32
    %mul3A_3 = arith.constant 96 : i32
    %mul3A_4 = arith.muli %add3A, %mul3A_3 : i32
    %scan3A = arith.constant 0 : i32
    %scan3A_5 = arith.constant 0 : i32
    %scan3A_6 = arith.constant 14 : i32
    %scan3A_7 = arith.addi %scan3A_5, %scan3A_6 : i32
    %scan3A_8 = arith.constant 1 : i32
    %scan3A_9 = scf.for %scan3A_34 = %scan3A_5 to %scan3A_7 step %scan3A_8 iter_args(%scan3A_35 = %scan3A) -> (i32)  : i32 {
      %mul3A_36 = arith.constant 16 : i32
      %mul3A_37 = arith.muli %mul3A_36, %scan3A_34 : i32
      %add3A_38 = arith.addi %mul3A_2, %mul3A_37 : i32
      %shift_right_arithmetic3A = arith.constant 10 : i32
      %shift_right_arithmetic3A_39 = arith.shrsi %add3A_38, %shift_right_arithmetic3A : i32
      %shift_left3A = arith.constant 10 : i32
      %shift_left3A_40 = arith.shli %shift_right_arithmetic3A_39, %shift_left3A : i32
      %sub3A = arith.subi %add3A_38, %shift_left3A_40 : i32
      %shift_right_arithmetic3A_41 = arith.constant 7 : i32
      %shift_right_arithmetic3A_42 = arith.shrsi %sub3A, %shift_right_arithmetic3A_41 : i32
      %shift_left3A_43 = arith.constant 7 : i32
      %shift_left3A_44 = arith.shli %shift_right_arithmetic3A_42, %shift_left3A_43 : i32
      %get3A = arith.index_cast %sub3A : i32 to index
      %get3A_45 = tpu.vector_load %arg7[%get3A] {strides = array<i32>} : memref<1024xi32, #tpu.memory_space<vmem>>, vector<16xi32>,
      %get3A_46 = vector.shape_cast %get3A_45 : vector<16xi32> to vector<16xi32>
      %shift_right_arithmetic3A_47 = arith.constant 7 : i32
      %shift_right_arithmetic3A_48 = vector.broadcast %shift_right_arithmetic3A_47 : i32 to vector<16xi32>
      %shift_right_arithmetic3A_49 = arith.shrsi %get3A_46, %shift_right_arithmetic3A_48 : vector<16xi32>
      %mul3A_50 = arith.constant 1024 : i32
      %mul3A_51 = vector.broadcast %mul3A_50 : i32 to vector<16xi32>
      %mul3A_52 = arith.muli %shift_right_arithmetic3A_49, %mul3A_51 : vector<16xi32>
      %and3A = arith.constant 127 : i32
      %and3A_53 = vector.broadcast %and3A : i32 to vector<16xi32>
      %and3A_54 = arith.andi %get3A_46, %and3A_53 : vector<16xi32>
      %add3A_55 = arith.addi %mul3A_52, %and3A_54 : vector<16xi32>
      %mul3A_56 = arith.constant 8192 : i32
      %mul3A_57 = arith.muli %shift_right_arithmetic3A_39, %mul3A_56 : i32
      %add3A_58 = arith.addi %mul3A_57, %shift_left3A_44 : i32
      %add3A_59 = vector.broadcast %add3A_58 : i32 to vector<16xi32>
      %add3A_60 = arith.addi %add3A_55, %add3A_59 : vector<16xi32>
      %mul3A_61 = arith.constant 16 : i32
      %mul3A_62 = arith.muli %mul3A_61, %scan3A_34 : i32
      %swap3A = arith.index_cast %mul3A_62 : i32 to index
      %swap3A_63 = tpu.vector_load %arg8[%swap3A] {strides = array<i32>} : memref<224xi32, #tpu.memory_space<vmem>>, vector<16xi32>,
      %swap3A_64 = vector.shape_cast %swap3A_63 : vector<16xi32> to vector<16xi32>
      %swap3A_65 = vector.shape_cast %add3A_60 : vector<16xi32> to vector<16xi32>
      tpu.vector_store %arg8[%swap3A], %swap3A_65 {strides = array<i32>} : memref<224xi32, #tpu.memory_space<vmem>>, vector<16xi32>,
      %scan3A_66 = arith.constant 0 : i32
      scf.yield %scan3A_66 : i32
    }
    %scan3A_10 = arith.constant 14 : i32
    %scan3A_11 = arith.constant 0 : i32
    %scan3A_12 = arith.constant 0 : i32
    %scan3A_13 = arith.constant 6 : i32
    %scan3A_14 = arith.addi %scan3A_12, %scan3A_13 : i32
    %scan3A_15 = arith.constant 1 : i32
    %scan3A_16 = scf.for %scan3A_34 = %scan3A_12 to %scan3A_14 step %scan3A_15 iter_args(%scan3A_35 = %scan3A_11) -> (i32)  : i32 {
      %mul3A_36 = arith.constant 16 : i32
      %mul3A_37 = arith.muli %mul3A_36, %scan3A_34 : i32
      %add3A_38 = arith.addi %mul3A_4, %mul3A_37 : i32
      %shift_right_arithmetic3A = arith.constant 10 : i32
      %shift_right_arithmetic3A_39 = arith.shrsi %add3A_38, %shift_right_arithmetic3A : i32
      %shift_left3A = arith.constant 10 : i32
      %shift_left3A_40 = arith.shli %shift_right_arithmetic3A_39, %shift_left3A : i32
      %sub3A = arith.subi %add3A_38, %shift_left3A_40 : i32
      %shift_right_arithmetic3A_41 = arith.constant 7 : i32
      %shift_right_arithmetic3A_42 = arith.shrsi %sub3A, %shift_right_arithmetic3A_41 : i32
      %shift_left3A_43 = arith.constant 7 : i32
      %shift_left3A_44 = arith.shli %shift_right_arithmetic3A_42, %shift_left3A_43 : i32
      %get3A = arith.index_cast %sub3A : i32 to index
      %get3A_45 = tpu.vector_load %arg7[%get3A] {strides = array<i32>} : memref<1024xi32, #tpu.memory_space<vmem>>, vector<16xi32>,
      %get3A_46 = vector.shape_cast %get3A_45 : vector<16xi32> to vector<16xi32>
      %shift_right_arithmetic3A_47 = arith.constant 7 : i32
      %shift_right_arithmetic3A_48 = vector.broadcast %shift_right_arithmetic3A_47 : i32 to vector<16xi32>
      %shift_right_arithmetic3A_49 = arith.shrsi %get3A_46, %shift_right_arithmetic3A_48 : vector<16xi32>
      %mul3A_50 = arith.constant 1024 : i32
      %mul3A_51 = vector.broadcast %mul3A_50 : i32 to vector<16xi32>
      %mul3A_52 = arith.muli %shift_right_arithmetic3A_49, %mul3A_51 : vector<16xi32>
      %and3A = arith.constant 127 : i32
      %and3A_53 = vector.broadcast %and3A : i32 to vector<16xi32>
      %and3A_54 = arith.andi %get3A_46, %and3A_53 : vector<16xi32>
      %add3A_55 = arith.addi %mul3A_52, %and3A_54 : vector<16xi32>
      %mul3A_56 = arith.constant 8192 : i32
      %mul3A_57 = arith.muli %shift_right_arithmetic3A_39, %mul3A_56 : i32
      %add3A_58 = arith.addi %mul3A_57, %shift_left3A_44 : i32
      %add3A_59 = vector.broadcast %add3A_58 : i32 to vector<16xi32>
      %add3A_60 = arith.addi %add3A_55, %add3A_59 : vector<16xi32>
      %mul3A_61 = arith.constant 16 : i32
      %mul3A_62 = arith.muli %mul3A_61, %scan3A_34 : i32
      %swap3A = arith.index_cast %mul3A_62 : i32 to index
      %swap3A_63 = tpu.vector_load %arg9[%swap3A] {strides = array<i32>} : memref<96xi32, #tpu.memory_space<vmem>>, vector<16xi32>,
      %swap3A_64 = vector.shape_cast %swap3A_63 : vector<16xi32> to vector<16xi32>
      %swap3A_65 = vector.shape_cast %add3A_60 : vector<16xi32> to vector<16xi32>
      tpu.vector_store %arg9[%swap3A], %swap3A_65 {strides = array<i32>} : memref<96xi32, #tpu.memory_space<vmem>>, vector<16xi32>,
      %scan3A_66 = arith.constant 0 : i32
      scf.yield %scan3A_66 : i32
    }
    %scan3A_17 = arith.constant 6 : i32
    %dma_start3A = arith.constant 0 : i32
    %dma_start3A_18 = tpu.memref_slice %arg2[%dma_start3A] : memref<57344xf32, #tpu.memory_space<hbm>> -> memref<57344xf32, #tpu.memory_space<hbm>>
    tpu.enqueue_indirect_dma source(%dma_start3A_18 : memref<57344xf32, #tpu.memory_space<hbm>>) target(%arg10 : memref<224xf32, #tpu.memory_space<vmem>>) offsets(%arg8 : memref<224xi32, #tpu.memory_space<vmem>>) semaphore(%arg13 : memref<!tpu.dma_semaphore, #tpu.memory_space<semaphore_mem>>)
    %dma_start3A_19 = arith.constant 0 : i32
    %dma_start3A_20 = tpu.memref_slice %arg3[%dma_start3A_19] : memref<57344xf32, #tpu.memory_space<hbm>> -> memref<57344xf32, #tpu.memory_space<hbm>>
    tpu.enqueue_indirect_dma source(%dma_start3A_20 : memref<57344xf32, #tpu.memory_space<hbm>>) target(%arg11 : memref<224xf32, #tpu.memory_space<vmem>>) offsets(%arg8 : memref<224xi32, #tpu.memory_space<vmem>>) semaphore(%arg13 : memref<!tpu.dma_semaphore, #tpu.memory_space<semaphore_mem>>)
    %dma_start3A_21 = arith.constant 0 : i32
    %dma_start3A_22 = tpu.memref_slice %arg4[%dma_start3A_21] : memref<24576xf32, #tpu.memory_space<hbm>> -> memref<24576xf32, #tpu.memory_space<hbm>>
    tpu.enqueue_indirect_dma source(%dma_start3A_22 : memref<24576xf32, #tpu.memory_space<hbm>>) target(%arg12 : memref<96xf32, #tpu.memory_space<vmem>>) offsets(%arg9 : memref<96xi32, #tpu.memory_space<vmem>>) semaphore(%arg13 : memref<!tpu.dma_semaphore, #tpu.memory_space<semaphore_mem>>)
    %dma_wait3A = arith.constant 0 : i32
    %dma_wait3A_23 = tpu.memref_slice %arg2[%dma_wait3A] : memref<57344xf32, #tpu.memory_space<hbm>> -> memref<57344xf32, #tpu.memory_space<hbm>>
    tpu.wait_indirect_dma semaphore(%arg13 : memref<!tpu.dma_semaphore, #tpu.memory_space<semaphore_mem>>) src(%dma_wait3A_23 : memref<57344xf32, #tpu.memory_space<hbm>>) dst(%arg10 : memref<224xf32, #tpu.memory_space<vmem>>)
    %dma_wait3A_24 = arith.constant 0 : i32
    %dma_wait3A_25 = tpu.memref_slice %arg3[%dma_wait3A_24] : memref<57344xf32, #tpu.memory_space<hbm>> -> memref<57344xf32, #tpu.memory_space<hbm>>
    tpu.wait_indirect_dma semaphore(%arg13 : memref<!tpu.dma_semaphore, #tpu.memory_space<semaphore_mem>>) src(%dma_wait3A_25 : memref<57344xf32, #tpu.memory_space<hbm>>) dst(%arg11 : memref<224xf32, #tpu.memory_space<vmem>>)
    %dma_wait3A_26 = arith.constant 0 : i32
    %dma_wait3A_27 = tpu.memref_slice %arg4[%dma_wait3A_26] : memref<24576xf32, #tpu.memory_space<hbm>> -> memref<24576xf32, #tpu.memory_space<hbm>>
    tpu.wait_indirect_dma semaphore(%arg13 : memref<!tpu.dma_semaphore, #tpu.memory_space<semaphore_mem>>) src(%dma_wait3A_27 : memref<24576xf32, #tpu.memory_space<hbm>>) dst(%arg12 : memref<96xf32, #tpu.memory_space<vmem>>)
    %add3A_28 = arith.constant 0 : i32
    %add3A_29 = arith.addi %add3A_28, %mul3A_2 : i32
    "tpu.region"() ({
      %run_scoped3A = tpu.sem_alloc : memref<!tpu.dma_semaphore, #tpu.memory_space<semaphore_mem>>
      %dma_start3A_34 = tpu.memref_slice %arg6[%add3A_29] : memref<17408xf32, #tpu.memory_space<hbm>> -> memref<224xf32, #tpu.memory_space<hbm>>
      %dma_start3A_35 = tpu.memref_slice %arg6[%add3A_29] : memref<17408xf32, #tpu.memory_space<hbm>> -> memref<224xf32, #tpu.memory_space<hbm>>
      tpu.enqueue_dma source(%arg10 : memref<224xf32, #tpu.memory_space<vmem>>) target(%dma_start3A_35 : memref<224xf32, #tpu.memory_space<hbm>>) target_semaphore(%run_scoped3A : memref<!tpu.dma_semaphore, #tpu.memory_space<semaphore_mem>>)
      %dma_wait3A_36 = tpu.memref_slice %arg6[%add3A_29] : memref<17408xf32, #tpu.memory_space<hbm>> -> memref<224xf32, #tpu.memory_space<hbm>>
      %dma_wait3A_37 = tpu.memref_slice %arg6[%add3A_29] : memref<17408xf32, #tpu.memory_space<hbm>> -> memref<224xf32, #tpu.memory_space<hbm>>
      tpu.wait_dma2 semaphore(%run_scoped3A : memref<!tpu.dma_semaphore, #tpu.memory_space<semaphore_mem>>) src(%arg10 : memref<224xf32, #tpu.memory_space<vmem>>) dst(%dma_wait3A_37 : memref<224xf32, #tpu.memory_space<hbm>>)
      tpu.yield
    }) : () -> ()
    %add3A_30 = arith.constant 7168 : i32
    %add3A_31 = arith.addi %add3A_30, %mul3A_2 : i32
    "tpu.region"() ({
      %run_scoped3A = tpu.sem_alloc : memref<!tpu.dma_semaphore, #tpu.memory_space<semaphore_mem>>
      %dma_start3A_34 = tpu.memref_slice %arg6[%add3A_31] : memref<17408xf32, #tpu.memory_space<hbm>> -> memref<224xf32, #tpu.memory_space<hbm>>
      %dma_start3A_35 = tpu.memref_slice %arg6[%add3A_31] : memref<17408xf32, #tpu.memory_space<hbm>> -> memref<224xf32, #tpu.memory_space<hbm>>
      tpu.enqueue_dma source(%arg11 : memref<224xf32, #tpu.memory_space<vmem>>) target(%dma_start3A_35 : memref<224xf32, #tpu.memory_space<hbm>>) target_semaphore(%run_scoped3A : memref<!tpu.dma_semaphore, #tpu.memory_space<semaphore_mem>>)
      %dma_wait3A_36 = tpu.memref_slice %arg6[%add3A_31] : memref<17408xf32, #tpu.memory_space<hbm>> -> memref<224xf32, #tpu.memory_space<hbm>>
      %dma_wait3A_37 = tpu.memref_slice %arg6[%add3A_31] : memref<17408xf32, #tpu.memory_space<hbm>> -> memref<224xf32, #tpu.memory_space<hbm>>
      tpu.wait_dma2 semaphore(%run_scoped3A : memref<!tpu.dma_semaphore, #tpu.memory_space<semaphore_mem>>) src(%arg11 : memref<224xf32, #tpu.memory_space<vmem>>) dst(%dma_wait3A_37 : memref<224xf32, #tpu.memory_space<hbm>>)
      tpu.yield
    }) : () -> ()
    %add3A_32 = arith.constant 14336 : i32
    %add3A_33 = arith.addi %add3A_32, %mul3A_4 : i32
    "tpu.region"() ({
      %run_scoped3A = tpu.sem_alloc : memref<!tpu.dma_semaphore, #tpu.memory_space<semaphore_mem>>
      %dma_start3A_34 = tpu.memref_slice %arg6[%add3A_33] : memref<17408xf32, #tpu.memory_space<hbm>> -> memref<96xf32, #tpu.memory_space<hbm>>
      %dma_start3A_35 = tpu.memref_slice %arg6[%add3A_33] : memref<17408xf32, #tpu.memory_space<hbm>> -> memref<96xf32, #tpu.memory_space<hbm>>
      tpu.enqueue_dma source(%arg12 : memref<96xf32, #tpu.memory_space<vmem>>) target(%dma_start3A_35 : memref<96xf32, #tpu.memory_space<hbm>>) target_semaphore(%run_scoped3A : memref<!tpu.dma_semaphore, #tpu.memory_space<semaphore_mem>>)
      %dma_wait3A_36 = tpu.memref_slice %arg6[%add3A_33] : memref<17408xf32, #tpu.memory_space<hbm>> -> memref<96xf32, #tpu.memory_space<hbm>>
      %dma_wait3A_37 = tpu.memref_slice %arg6[%add3A_33] : memref<17408xf32, #tpu.memory_space<hbm>> -> memref<96xf32, #tpu.memory_space<hbm>>
      tpu.wait_dma2 semaphore(%run_scoped3A : memref<!tpu.dma_semaphore, #tpu.memory_space<semaphore_mem>>) src(%arg12 : memref<96xf32, #tpu.memory_space<vmem>>) dst(%dma_wait3A_37 : memref<96xf32, #tpu.memory_space<hbm>>)
      tpu.yield
    }) : () -> ()
    return
  }
}

module attributes {stable_mosaic.version = 14 : i64} {
  func.func @_tc_loss_body(%arg0: memref<7168xf32, #tpu.memory_space<vmem>>, %arg1: memref<17408xf32, #tpu.memory_space<vmem>>, %arg2: memref<1024xi32, #tpu.memory_space<vmem>>, %arg3: memref<1x1xf32, #tpu.memory_space<smem>>, %arg4: memref<1x1xf32, #tpu.memory_space<smem>>) attributes {dimension_semantics = [], scalar_prefetch = 0 : i64, scratch_operands = 0 : i64, tpu.core_type = #tpu.core_type<tc>} {
    %get3A = arith.constant 0 : index
    %get3A_0 = arith.constant 0 : index
    %get3A_1 = memref.load %arg3[%get3A, %get3A_0] : memref<1x1xf32, #tpu.memory_space<smem>>
    %get3A_2 = arith.constant 0 : index
    %get3A_3 = vector.load %arg2[%get3A_2] : memref<1024xi32, #tpu.memory_space<vmem>>, vector<1024xi32>
    %convert_element_type3A = arith.sitofp %get3A_3 : vector<1024xi32> to vector<1024xf32>
    %get3A_4 = arith.constant 14336 : index
    %get3A_5 = vector.load %arg1[%get3A_4] : memref<17408xf32, #tpu.memory_space<vmem>>, vector<1024xf32>
    %eq3A = arith.constant 0.000000e+00 : f32
    %eq3A_6 = vector.broadcast %eq3A : f32 to vector<1024xf32>
    %eq3A_7 = arith.cmpf oeq, %convert_element_type3A, %eq3A_6 : vector<1024xf32>
    %convert_element_type3A_8 = arith.extui %eq3A_7 : vector<1024xi1> to vector<1024xi32>
    %convert_element_type3A_9 = arith.sitofp %convert_element_type3A_8 : vector<1024xi32> to vector<1024xf32>
    %mul3A = arith.mulf %get3A_5, %convert_element_type3A_9 : vector<1024xf32>
    %get3A_10 = arith.constant 15360 : index
    %get3A_11 = vector.load %arg1[%get3A_10] : memref<17408xf32, #tpu.memory_space<vmem>>, vector<1024xf32>
    %eq3A_12 = arith.constant 1.000000e+00 : f32
    %eq3A_13 = vector.broadcast %eq3A_12 : f32 to vector<1024xf32>
    %eq3A_14 = arith.cmpf oeq, %convert_element_type3A, %eq3A_13 : vector<1024xf32>
    %convert_element_type3A_15 = arith.extui %eq3A_14 : vector<1024xi1> to vector<1024xi32>
    %convert_element_type3A_16 = arith.sitofp %convert_element_type3A_15 : vector<1024xi32> to vector<1024xf32>
    %mul3A_17 = arith.mulf %get3A_11, %convert_element_type3A_16 : vector<1024xf32>
    %add3A = arith.addf %mul3A, %mul3A_17 : vector<1024xf32>
    %get3A_18 = arith.constant 16384 : index
    %get3A_19 = vector.load %arg1[%get3A_18] : memref<17408xf32, #tpu.memory_space<vmem>>, vector<1024xf32>
    %eq3A_20 = arith.constant 2.000000e+00 : f32
    %eq3A_21 = vector.broadcast %eq3A_20 : f32 to vector<1024xf32>
    %eq3A_22 = arith.cmpf oeq, %convert_element_type3A, %eq3A_21 : vector<1024xf32>
    %convert_element_type3A_23 = arith.extui %eq3A_22 : vector<1024xi1> to vector<1024xi32>
    %convert_element_type3A_24 = arith.sitofp %convert_element_type3A_23 : vector<1024xi32> to vector<1024xf32>
    %mul3A_25 = arith.mulf %get3A_19, %convert_element_type3A_24 : vector<1024xf32>
    %add3A_26 = arith.addf %add3A, %mul3A_25 : vector<1024xf32>
    %neg3A = arith.constant 0.000000e+00 : f32
    %neg3A_27 = vector.broadcast %neg3A : f32 to vector<1024xf32>
    %neg3A_28 = arith.subf %neg3A_27, %add3A_26 : vector<1024xf32>
    %exp3A = math.exp %neg3A_28 : vector<1024xf32>
    %add3A_29 = arith.constant 1.000000e+00 : f32
    %add3A_30 = vector.broadcast %add3A_29 : f32 to vector<1024xf32>
    %add3A_31 = arith.addf %add3A_30, %exp3A : vector<1024xf32>
    %div3A = arith.constant 1.000000e+00 : f32
    %div3A_32 = vector.broadcast %div3A : f32 to vector<1024xf32>
    %div3A_33 = arith.divf %div3A_32, %add3A_31 : vector<1024xf32>
    %max3A = arith.constant 0.000000e+00 : f32
    %max3A_34 = vector.broadcast %max3A : f32 to vector<1024xf32>
    %max3A_35 = arith.maximumf %add3A_26, %max3A_34 : vector<1024xf32>
    %abs3A = math.absf %add3A_26 : vector<1024xf32>
    %neg3A_36 = arith.constant 0.000000e+00 : f32
    %neg3A_37 = vector.broadcast %neg3A_36 : f32 to vector<1024xf32>
    %neg3A_38 = arith.subf %neg3A_37, %abs3A : vector<1024xf32>
    %exp3A_39 = math.exp %neg3A_38 : vector<1024xf32>
    %add3A_40 = arith.constant 1.000000e+00 : f32
    %add3A_41 = vector.broadcast %add3A_40 : f32 to vector<1024xf32>
    %add3A_42 = arith.addf %add3A_41, %exp3A_39 : vector<1024xf32>
    %log3A = math.log %add3A_42 : vector<1024xf32>
    %add3A_43 = arith.addf %max3A_35, %log3A : vector<1024xf32>
    %sub3A = arith.constant 1.000000e+00 : f32
    %sub3A_44 = vector.broadcast %sub3A : f32 to vector<1024xf32>
    %sub3A_45 = arith.subf %sub3A_44, %div3A_33 : vector<1024xf32>
    %mul3A_46 = arith.constant 2.500000e-01 : f32
    %mul3A_47 = vector.broadcast %mul3A_46 : f32 to vector<1024xf32>
    %mul3A_48 = arith.mulf %mul3A_47, %sub3A_45 : vector<1024xf32>
    %mul3A_49 = arith.mulf %mul3A_48, %sub3A_45 : vector<1024xf32>
    %sub3A_50 = arith.subf %add3A_43, %add3A_26 : vector<1024xf32>
    %mul3A_51 = arith.mulf %mul3A_49, %sub3A_50 : vector<1024xf32>
    %mul3A_52 = arith.constant 7.500000e-01 : f32
    %mul3A_53 = vector.broadcast %mul3A_52 : f32 to vector<1024xf32>
    %mul3A_54 = arith.mulf %mul3A_53, %div3A_33 : vector<1024xf32>
    %mul3A_55 = arith.mulf %mul3A_54, %div3A_33 : vector<1024xf32>
    %mul3A_56 = arith.mulf %mul3A_55, %add3A_43 : vector<1024xf32>
    %sub3A_57 = arith.subf %mul3A_51, %mul3A_56 : vector<1024xf32>
    %reduce_sum3A = vector.shape_cast %sub3A_57 : vector<1024xf32> to vector<1x1024xf32>
    %reduce_sum3A_58 = arith.constant dense<0.000000e+00> : vector<1xf32>
    %reduce_sum3A_59 = vector.multi_reduction <add>, %reduce_sum3A, %reduce_sum3A_58 [1] : vector<1x1024xf32> to vector<1xf32>
    %reduce_sum3A_60 = vector.shape_cast %reduce_sum3A_59 : vector<1xf32> to vector<1x1xf32>
    %reduce_sum3A_61 = vector.extract %reduce_sum3A_60[0, 0] : f32 from vector<1x1xf32>
    %add3A_62 = arith.addf %get3A_1, %reduce_sum3A_61 : f32
    %mul3A_63 = arith.constant 9.765625E-4 : f32
    %mul3A_64 = arith.mulf %add3A_62, %mul3A_63 : f32
    %get3A_65 = arith.constant 6144 : index
    %get3A_66 = vector.load %arg1[%get3A_65] : memref<17408xf32, #tpu.memory_space<vmem>>, vector<1024xf32>
    %mul3A_67 = arith.constant 0.159154937 : f32
    %mul3A_68 = vector.broadcast %mul3A_67 : f32 to vector<1024xf32>
    %mul3A_69 = arith.mulf %get3A_66, %mul3A_68 : vector<1024xf32>
    %floor3A = math.floor %mul3A_69 : vector<1024xf32>
    %mul3A_70 = arith.constant 6.28318548 : f32
    %mul3A_71 = vector.broadcast %mul3A_70 : f32 to vector<1024xf32>
    %mul3A_72 = arith.mulf %floor3A, %mul3A_71 : vector<1024xf32>
    %sub3A_73 = arith.subf %get3A_66, %mul3A_72 : vector<1024xf32>
    %get3A_74 = arith.constant 0 : index
    %get3A_75 = vector.load %arg0[%get3A_74] : memref<7168xf32, #tpu.memory_space<vmem>>, vector<1024xf32>
    %get3A_76 = arith.constant 0 : index
    %get3A_77 = vector.load %arg1[%get3A_76] : memref<17408xf32, #tpu.memory_space<vmem>>, vector<1024xf32>
    %sub3A_78 = arith.subf %get3A_75, %get3A_77 : vector<1024xf32>
    %get3A_79 = arith.constant 1024 : index
    %get3A_80 = vector.load %arg0[%get3A_79] : memref<7168xf32, #tpu.memory_space<vmem>>, vector<1024xf32>
    %get3A_81 = arith.constant 1024 : index
    %get3A_82 = vector.load %arg1[%get3A_81] : memref<17408xf32, #tpu.memory_space<vmem>>, vector<1024xf32>
    %sub3A_83 = arith.subf %get3A_80, %get3A_82 : vector<1024xf32>
    %get3A_84 = arith.constant 2048 : index
    %get3A_85 = vector.load %arg0[%get3A_84] : memref<7168xf32, #tpu.memory_space<vmem>>, vector<1024xf32>
    %get3A_86 = arith.constant 2048 : index
    %get3A_87 = vector.load %arg1[%get3A_86] : memref<17408xf32, #tpu.memory_space<vmem>>, vector<1024xf32>
    %sub3A_88 = arith.subf %get3A_85, %get3A_87 : vector<1024xf32>
    %cos3A = math.cos %sub3A_73 : vector<1024xf32>
    %sin3A = math.sin %sub3A_73 : vector<1024xf32>
    %mul3A_89 = arith.mulf %sub3A_78, %cos3A : vector<1024xf32>
    %mul3A_90 = arith.mulf %sub3A_83, %sin3A : vector<1024xf32>
    %add3A_91 = arith.addf %mul3A_89, %mul3A_90 : vector<1024xf32>
    %mul3A_92 = arith.mulf %sub3A_83, %cos3A : vector<1024xf32>
    %mul3A_93 = arith.mulf %sub3A_78, %sin3A : vector<1024xf32>
    %sub3A_94 = arith.subf %mul3A_92, %mul3A_93 : vector<1024xf32>
    %get3A_95 = arith.constant 6144 : index
    %get3A_96 = vector.load %arg0[%get3A_95] : memref<7168xf32, #tpu.memory_space<vmem>>, vector<1024xf32>
    %sub3A_97 = arith.subf %get3A_96, %sub3A_73 : vector<1024xf32>
    %mul3A_98 = arith.constant 0.159154937 : f32
    %mul3A_99 = vector.broadcast %mul3A_98 : f32 to vector<1024xf32>
    %mul3A_100 = arith.mulf %sub3A_97, %mul3A_99 : vector<1024xf32>
    %floor3A_101 = math.floor %mul3A_100 : vector<1024xf32>
    %mul3A_102 = arith.constant 6.28318548 : f32
    %mul3A_103 = vector.broadcast %mul3A_102 : f32 to vector<1024xf32>
    %mul3A_104 = arith.mulf %floor3A_101, %mul3A_103 : vector<1024xf32>
    %sub3A_105 = arith.subf %sub3A_97, %mul3A_104 : vector<1024xf32>
    %gt3A = arith.constant 1.57079637 : f32
    %gt3A_106 = vector.broadcast %gt3A : f32 to vector<1024xf32>
    %gt3A_107 = arith.cmpf ogt, %sub3A_105, %gt3A_106 : vector<1024xf32>
    %lt3A = arith.constant 4.71238899 : f32
    %lt3A_108 = vector.broadcast %lt3A : f32 to vector<1024xf32>
    %lt3A_109 = arith.cmpf olt, %sub3A_105, %lt3A_108 : vector<1024xf32>
    %and3A = arith.andi %gt3A_107, %lt3A_109 : vector<1024xi1>
    %add3A_110 = arith.constant 3.14159274 : f32
    %add3A_111 = vector.broadcast %add3A_110 : f32 to vector<1024xf32>
    %add3A_112 = arith.addf %sub3A_105, %add3A_111 : vector<1024xf32>
    %mul3A_113 = arith.constant 0.159154937 : f32
    %mul3A_114 = vector.broadcast %mul3A_113 : f32 to vector<1024xf32>
    %mul3A_115 = arith.mulf %add3A_112, %mul3A_114 : vector<1024xf32>
    %floor3A_116 = math.floor %mul3A_115 : vector<1024xf32>
    %mul3A_117 = arith.constant 6.28318548 : f32
    %mul3A_118 = vector.broadcast %mul3A_117 : f32 to vector<1024xf32>
    %mul3A_119 = arith.mulf %floor3A_116, %mul3A_118 : vector<1024xf32>
    %sub3A_120 = arith.subf %add3A_112, %mul3A_119 : vector<1024xf32>
    %select_n3A = arith.select %and3A, %sub3A_120, %sub3A_105 : vector<1024xi1>, vector<1024xf32>
    %gt3A_121 = arith.constant 3.14159274 : f32
    %gt3A_122 = vector.broadcast %gt3A_121 : f32 to vector<1024xf32>
    %gt3A_123 = arith.cmpf ogt, %select_n3A, %gt3A_122 : vector<1024xf32>
    %sub3A_124 = arith.constant 6.28318548 : f32
    %sub3A_125 = vector.broadcast %sub3A_124 : f32 to vector<1024xf32>
    %sub3A_126 = arith.subf %select_n3A, %sub3A_125 : vector<1024xf32>
    %select_n3A_127 = arith.select %gt3A_123, %sub3A_126, %select_n3A : vector<1024xi1>, vector<1024xf32>
    %jit3A = arith.constant -1.57079637 : f32
    %jit3A_128 = arith.constant 1.57079637 : f32
    %max3A_129 = vector.broadcast %jit3A : f32 to vector<1024xf32>
    %max3A_130 = arith.maximumf %max3A_129, %select_n3A_127 : vector<1024xf32>
    %min3A = vector.broadcast %jit3A_128 : f32 to vector<1024xf32>
    %min3A_131 = arith.minimumf %min3A, %max3A_130 : vector<1024xf32>
    %get3A_132 = arith.constant 3072 : index
    %get3A_133 = vector.load %arg1[%get3A_132] : memref<17408xf32, #tpu.memory_space<vmem>>, vector<1024xf32>
    %max3A_134 = arith.constant 9.99999974E-6 : f32
    %max3A_135 = vector.broadcast %max3A_134 : f32 to vector<1024xf32>
    %max3A_136 = arith.maximumf %get3A_133, %max3A_135 : vector<1024xf32>
    %get3A_137 = arith.constant 4096 : index
    %get3A_138 = vector.load %arg1[%get3A_137] : memref<17408xf32, #tpu.memory_space<vmem>>, vector<1024xf32>
    %max3A_139 = arith.constant 9.99999974E-6 : f32
    %max3A_140 = vector.broadcast %max3A_139 : f32 to vector<1024xf32>
    %max3A_141 = arith.maximumf %get3A_138, %max3A_140 : vector<1024xf32>
    %get3A_142 = arith.constant 5120 : index
    %get3A_143 = vector.load %arg1[%get3A_142] : memref<17408xf32, #tpu.memory_space<vmem>>, vector<1024xf32>
    %max3A_144 = arith.constant 9.99999974E-6 : f32
    %max3A_145 = vector.broadcast %max3A_144 : f32 to vector<1024xf32>
    %max3A_146 = arith.maximumf %get3A_143, %max3A_145 : vector<1024xf32>
    %mul3A_147 = arith.mulf %max3A_136, %max3A_136 : vector<1024xf32>
    %mul3A_148 = arith.mulf %max3A_141, %max3A_141 : vector<1024xf32>
    %add3A_149 = arith.addf %mul3A_147, %mul3A_148 : vector<1024xf32>
    %sqrt3A = math.sqrt %add3A_149 : vector<1024xf32>
    %div3A_150 = arith.constant 1.000000e+00 : f32
    %div3A_151 = vector.broadcast %div3A_150 : f32 to vector<1024xf32>
    %div3A_152 = arith.divf %div3A_151, %sqrt3A : vector<1024xf32>
    %mul3A_153 = arith.mulf %add3A_91, %div3A_152 : vector<1024xf32>
    %get3A_154 = arith.constant 7168 : index
    %get3A_155 = vector.load %arg1[%get3A_154] : memref<17408xf32, #tpu.memory_space<vmem>>, vector<1024xf32>
    %sub3A_156 = arith.subf %mul3A_153, %get3A_155 : vector<1024xf32>
    %abs3A_157 = math.absf %sub3A_156 : vector<1024xf32>
    %lt3A_158 = arith.constant 0.111111112 : f32
    %lt3A_159 = vector.broadcast %lt3A_158 : f32 to vector<1024xf32>
    %lt3A_160 = arith.cmpf olt, %abs3A_157, %lt3A_159 : vector<1024xf32>
    %mul3A_161 = arith.constant 4.500000e+00 : f32
    %mul3A_162 = vector.broadcast %mul3A_161 : f32 to vector<1024xf32>
    %mul3A_163 = arith.mulf %mul3A_162, %sub3A_156 : vector<1024xf32>
    %mul3A_164 = arith.mulf %mul3A_163, %sub3A_156 : vector<1024xf32>
    %sub3A_165 = arith.constant 0.055555556 : f32
    %sub3A_166 = vector.broadcast %sub3A_165 : f32 to vector<1024xf32>
    %sub3A_167 = arith.subf %abs3A_157, %sub3A_166 : vector<1024xf32>
    %select_n3A_168 = arith.select %lt3A_160, %mul3A_164, %sub3A_167 : vector<1024xi1>, vector<1024xf32>
    %reduce_sum3A_169 = vector.shape_cast %select_n3A_168 : vector<1024xf32> to vector<1x1024xf32>
    %reduce_sum3A_170 = arith.constant dense<0.000000e+00> : vector<1xf32>
    %reduce_sum3A_171 = vector.multi_reduction <add>, %reduce_sum3A_169, %reduce_sum3A_170 [1] : vector<1x1024xf32> to vector<1xf32>
    %reduce_sum3A_172 = vector.shape_cast %reduce_sum3A_171 : vector<1xf32> to vector<1x1xf32>
    %reduce_sum3A_173 = vector.extract %reduce_sum3A_172[0, 0] : f32 from vector<1x1xf32>
    %mul3A_174 = arith.mulf %sub3A_94, %div3A_152 : vector<1024xf32>
    %get3A_175 = arith.constant 8192 : index
    %get3A_176 = vector.load %arg1[%get3A_175] : memref<17408xf32, #tpu.memory_space<vmem>>, vector<1024xf32>
    %sub3A_177 = arith.subf %mul3A_174, %get3A_176 : vector<1024xf32>
    %abs3A_178 = math.absf %sub3A_177 : vector<1024xf32>
    %lt3A_179 = arith.constant 0.111111112 : f32
    %lt3A_180 = vector.broadcast %lt3A_179 : f32 to vector<1024xf32>
    %lt3A_181 = arith.cmpf olt, %abs3A_178, %lt3A_180 : vector<1024xf32>
    %mul3A_182 = arith.constant 4.500000e+00 : f32
    %mul3A_183 = vector.broadcast %mul3A_182 : f32 to vector<1024xf32>
    %mul3A_184 = arith.mulf %mul3A_183, %sub3A_177 : vector<1024xf32>
    %mul3A_185 = arith.mulf %mul3A_184, %sub3A_177 : vector<1024xf32>
    %sub3A_186 = arith.constant 0.055555556 : f32
    %sub3A_187 = vector.broadcast %sub3A_186 : f32 to vector<1024xf32>
    %sub3A_188 = arith.subf %abs3A_178, %sub3A_187 : vector<1024xf32>
    %select_n3A_189 = arith.select %lt3A_181, %mul3A_185, %sub3A_188 : vector<1024xi1>, vector<1024xf32>
    %reduce_sum3A_190 = vector.shape_cast %select_n3A_189 : vector<1024xf32> to vector<1x1024xf32>
    %reduce_sum3A_191 = arith.constant dense<0.000000e+00> : vector<1xf32>
    %reduce_sum3A_192 = vector.multi_reduction <add>, %reduce_sum3A_190, %reduce_sum3A_191 [1] : vector<1x1024xf32> to vector<1xf32>
    %reduce_sum3A_193 = vector.shape_cast %reduce_sum3A_192 : vector<1xf32> to vector<1x1xf32>
    %reduce_sum3A_194 = vector.extract %reduce_sum3A_193[0, 0] : f32 from vector<1x1xf32>
    %add3A_195 = arith.addf %reduce_sum3A_173, %reduce_sum3A_194 : f32
    %div3A_196 = arith.divf %sub3A_88, %max3A_146 : vector<1024xf32>
    %get3A_197 = arith.constant 9216 : index
    %get3A_198 = vector.load %arg1[%get3A_197] : memref<17408xf32, #tpu.memory_space<vmem>>, vector<1024xf32>
    %sub3A_199 = arith.subf %div3A_196, %get3A_198 : vector<1024xf32>
    %abs3A_200 = math.absf %sub3A_199 : vector<1024xf32>
    %lt3A_201 = arith.constant 0.111111112 : f32
    %lt3A_202 = vector.broadcast %lt3A_201 : f32 to vector<1024xf32>
    %lt3A_203 = arith.cmpf olt, %abs3A_200, %lt3A_202 : vector<1024xf32>
    %mul3A_204 = arith.constant 4.500000e+00 : f32
    %mul3A_205 = vector.broadcast %mul3A_204 : f32 to vector<1024xf32>
    %mul3A_206 = arith.mulf %mul3A_205, %sub3A_199 : vector<1024xf32>
    %mul3A_207 = arith.mulf %mul3A_206, %sub3A_199 : vector<1024xf32>
    %sub3A_208 = arith.constant 0.055555556 : f32
    %sub3A_209 = vector.broadcast %sub3A_208 : f32 to vector<1024xf32>
    %sub3A_210 = arith.subf %abs3A_200, %sub3A_209 : vector<1024xf32>
    %select_n3A_211 = arith.select %lt3A_203, %mul3A_207, %sub3A_210 : vector<1024xi1>, vector<1024xf32>
    %reduce_sum3A_212 = vector.shape_cast %select_n3A_211 : vector<1024xf32> to vector<1x1024xf32>
    %reduce_sum3A_213 = arith.constant dense<0.000000e+00> : vector<1xf32>
    %reduce_sum3A_214 = vector.multi_reduction <add>, %reduce_sum3A_212, %reduce_sum3A_213 [1] : vector<1x1024xf32> to vector<1xf32>
    %reduce_sum3A_215 = vector.shape_cast %reduce_sum3A_214 : vector<1xf32> to vector<1x1xf32>
    %reduce_sum3A_216 = vector.extract %reduce_sum3A_215[0, 0] : f32 from vector<1x1xf32>
    %add3A_217 = arith.addf %add3A_195, %reduce_sum3A_216 : f32
    %get3A_218 = arith.constant 3072 : index
    %get3A_219 = vector.load %arg0[%get3A_218] : memref<7168xf32, #tpu.memory_space<vmem>>, vector<1024xf32>
    %max3A_220 = arith.constant 9.99999974E-6 : f32
    %max3A_221 = vector.broadcast %max3A_220 : f32 to vector<1024xf32>
    %max3A_222 = arith.maximumf %get3A_219, %max3A_221 : vector<1024xf32>
    %div3A_223 = arith.divf %max3A_222, %max3A_136 : vector<1024xf32>
    %log3A_224 = math.log %div3A_223 : vector<1024xf32>
    %get3A_225 = arith.constant 10240 : index
    %get3A_226 = vector.load %arg1[%get3A_225] : memref<17408xf32, #tpu.memory_space<vmem>>, vector<1024xf32>
    %sub3A_227 = arith.subf %log3A_224, %get3A_226 : vector<1024xf32>
    %abs3A_228 = math.absf %sub3A_227 : vector<1024xf32>
    %lt3A_229 = arith.constant 0.111111112 : f32
    %lt3A_230 = vector.broadcast %lt3A_229 : f32 to vector<1024xf32>
    %lt3A_231 = arith.cmpf olt, %abs3A_228, %lt3A_230 : vector<1024xf32>
    %mul3A_232 = arith.constant 4.500000e+00 : f32
    %mul3A_233 = vector.broadcast %mul3A_232 : f32 to vector<1024xf32>
    %mul3A_234 = arith.mulf %mul3A_233, %sub3A_227 : vector<1024xf32>
    %mul3A_235 = arith.mulf %mul3A_234, %sub3A_227 : vector<1024xf32>
    %sub3A_236 = arith.constant 0.055555556 : f32
    %sub3A_237 = vector.broadcast %sub3A_236 : f32 to vector<1024xf32>
    %sub3A_238 = arith.subf %abs3A_228, %sub3A_237 : vector<1024xf32>
    %select_n3A_239 = arith.select %lt3A_231, %mul3A_235, %sub3A_238 : vector<1024xi1>, vector<1024xf32>
    %reduce_sum3A_240 = vector.shape_cast %select_n3A_239 : vector<1024xf32> to vector<1x1024xf32>
    %reduce_sum3A_241 = arith.constant dense<0.000000e+00> : vector<1xf32>
    %reduce_sum3A_242 = vector.multi_reduction <add>, %reduce_sum3A_240, %reduce_sum3A_241 [1] : vector<1x1024xf32> to vector<1xf32>
    %reduce_sum3A_243 = vector.shape_cast %reduce_sum3A_242 : vector<1xf32> to vector<1x1xf32>
    %reduce_sum3A_244 = vector.extract %reduce_sum3A_243[0, 0] : f32 from vector<1x1xf32>
    %add3A_245 = arith.addf %add3A_217, %reduce_sum3A_244 : f32
    %get3A_246 = arith.constant 4096 : index
    %get3A_247 = vector.load %arg0[%get3A_246] : memref<7168xf32, #tpu.memory_space<vmem>>, vector<1024xf32>
    %max3A_248 = arith.constant 9.99999974E-6 : f32
    %max3A_249 = vector.broadcast %max3A_248 : f32 to vector<1024xf32>
    %max3A_250 = arith.maximumf %get3A_247, %max3A_249 : vector<1024xf32>
    %div3A_251 = arith.divf %max3A_250, %max3A_141 : vector<1024xf32>
    %log3A_252 = math.log %div3A_251 : vector<1024xf32>
    %get3A_253 = arith.constant 11264 : index
    %get3A_254 = vector.load %arg1[%get3A_253] : memref<17408xf32, #tpu.memory_space<vmem>>, vector<1024xf32>
    %sub3A_255 = arith.subf %log3A_252, %get3A_254 : vector<1024xf32>
    %abs3A_256 = math.absf %sub3A_255 : vector<1024xf32>
    %lt3A_257 = arith.constant 0.111111112 : f32
    %lt3A_258 = vector.broadcast %lt3A_257 : f32 to vector<1024xf32>
    %lt3A_259 = arith.cmpf olt, %abs3A_256, %lt3A_258 : vector<1024xf32>
    %mul3A_260 = arith.constant 4.500000e+00 : f32
    %mul3A_261 = vector.broadcast %mul3A_260 : f32 to vector<1024xf32>
    %mul3A_262 = arith.mulf %mul3A_261, %sub3A_255 : vector<1024xf32>
    %mul3A_263 = arith.mulf %mul3A_262, %sub3A_255 : vector<1024xf32>
    %sub3A_264 = arith.constant 0.055555556 : f32
    %sub3A_265 = vector.broadcast %sub3A_264 : f32 to vector<1024xf32>
    %sub3A_266 = arith.subf %abs3A_256, %sub3A_265 : vector<1024xf32>
    %select_n3A_267 = arith.select %lt3A_259, %mul3A_263, %sub3A_266 : vector<1024xi1>, vector<1024xf32>
    %reduce_sum3A_268 = vector.shape_cast %select_n3A_267 : vector<1024xf32> to vector<1x1024xf32>
    %reduce_sum3A_269 = arith.constant dense<0.000000e+00> : vector<1xf32>
    %reduce_sum3A_270 = vector.multi_reduction <add>, %reduce_sum3A_268, %reduce_sum3A_269 [1] : vector<1x1024xf32> to vector<1xf32>
    %reduce_sum3A_271 = vector.shape_cast %reduce_sum3A_270 : vector<1xf32> to vector<1x1xf32>
    %reduce_sum3A_272 = vector.extract %reduce_sum3A_271[0, 0] : f32 from vector<1x1xf32>
    %add3A_273 = arith.addf %add3A_245, %reduce_sum3A_272 : f32
    %get3A_274 = arith.constant 5120 : index
    %get3A_275 = vector.load %arg0[%get3A_274] : memref<7168xf32, #tpu.memory_space<vmem>>, vector<1024xf32>
    %max3A_276 = arith.constant 9.99999974E-6 : f32
    %max3A_277 = vector.broadcast %max3A_276 : f32 to vector<1024xf32>
    %max3A_278 = arith.maximumf %get3A_275, %max3A_277 : vector<1024xf32>
    %div3A_279 = arith.divf %max3A_278, %max3A_146 : vector<1024xf32>
    %log3A_280 = math.log %div3A_279 : vector<1024xf32>
    %get3A_281 = arith.constant 12288 : index
    %get3A_282 = vector.load %arg1[%get3A_281] : memref<17408xf32, #tpu.memory_space<vmem>>, vector<1024xf32>
    %sub3A_283 = arith.subf %log3A_280, %get3A_282 : vector<1024xf32>
    %abs3A_284 = math.absf %sub3A_283 : vector<1024xf32>
    %lt3A_285 = arith.constant 0.111111112 : f32
    %lt3A_286 = vector.broadcast %lt3A_285 : f32 to vector<1024xf32>
    %lt3A_287 = arith.cmpf olt, %abs3A_284, %lt3A_286 : vector<1024xf32>
    %mul3A_288 = arith.constant 4.500000e+00 : f32
    %mul3A_289 = vector.broadcast %mul3A_288 : f32 to vector<1024xf32>
    %mul3A_290 = arith.mulf %mul3A_289, %sub3A_283 : vector<1024xf32>
    %mul3A_291 = arith.mulf %mul3A_290, %sub3A_283 : vector<1024xf32>
    %sub3A_292 = arith.constant 0.055555556 : f32
    %sub3A_293 = vector.broadcast %sub3A_292 : f32 to vector<1024xf32>
    %sub3A_294 = arith.subf %abs3A_284, %sub3A_293 : vector<1024xf32>
    %select_n3A_295 = arith.select %lt3A_287, %mul3A_291, %sub3A_294 : vector<1024xi1>, vector<1024xf32>
    %reduce_sum3A_296 = vector.shape_cast %select_n3A_295 : vector<1024xf32> to vector<1x1024xf32>
    %reduce_sum3A_297 = arith.constant dense<0.000000e+00> : vector<1xf32>
    %reduce_sum3A_298 = vector.multi_reduction <add>, %reduce_sum3A_296, %reduce_sum3A_297 [1] : vector<1x1024xf32> to vector<1xf32>
    %reduce_sum3A_299 = vector.shape_cast %reduce_sum3A_298 : vector<1xf32> to vector<1x1xf32>
    %reduce_sum3A_300 = vector.extract %reduce_sum3A_299[0, 0] : f32 from vector<1x1xf32>
    %add3A_301 = arith.addf %add3A_273, %reduce_sum3A_300 : f32
    %get3A_302 = arith.constant 13312 : index
    %get3A_303 = vector.load %arg1[%get3A_302] : memref<17408xf32, #tpu.memory_space<vmem>>, vector<1024xf32>
    %sub3A_304 = arith.subf %min3A_131, %get3A_303 : vector<1024xf32>
    %abs3A_305 = math.absf %sub3A_304 : vector<1024xf32>
    %lt3A_306 = arith.constant 0.111111112 : f32
    %lt3A_307 = vector.broadcast %lt3A_306 : f32 to vector<1024xf32>
    %lt3A_308 = arith.cmpf olt, %abs3A_305, %lt3A_307 : vector<1024xf32>
    %mul3A_309 = arith.constant 4.500000e+00 : f32
    %mul3A_310 = vector.broadcast %mul3A_309 : f32 to vector<1024xf32>
    %mul3A_311 = arith.mulf %mul3A_310, %sub3A_304 : vector<1024xf32>
    %mul3A_312 = arith.mulf %mul3A_311, %sub3A_304 : vector<1024xf32>
    %sub3A_313 = arith.constant 0.055555556 : f32
    %sub3A_314 = vector.broadcast %sub3A_313 : f32 to vector<1024xf32>
    %sub3A_315 = arith.subf %abs3A_305, %sub3A_314 : vector<1024xf32>
    %select_n3A_316 = arith.select %lt3A_308, %mul3A_312, %sub3A_315 : vector<1024xi1>, vector<1024xf32>
    %reduce_sum3A_317 = vector.shape_cast %select_n3A_316 : vector<1024xf32> to vector<1x1024xf32>
    %reduce_sum3A_318 = arith.constant dense<0.000000e+00> : vector<1xf32>
    %reduce_sum3A_319 = vector.multi_reduction <add>, %reduce_sum3A_317, %reduce_sum3A_318 [1] : vector<1x1024xf32> to vector<1xf32>
    %reduce_sum3A_320 = vector.shape_cast %reduce_sum3A_319 : vector<1xf32> to vector<1x1xf32>
    %reduce_sum3A_321 = vector.extract %reduce_sum3A_320[0, 0] : f32 from vector<1x1xf32>
    %add3A_322 = arith.addf %add3A_301, %reduce_sum3A_321 : f32
    %mul3A_323 = arith.constant 2.000000e+00 : f32
    %mul3A_324 = arith.mulf %mul3A_323, %add3A_322 : f32
    %mul3A_325 = arith.constant 9.765625E-4 : f32
    %mul3A_326 = arith.mulf %mul3A_324, %mul3A_325 : f32
    %add3A_327 = arith.addf %mul3A_64, %mul3A_326 : f32
    %swap3A = arith.constant 0 : index
    %swap3A_328 = arith.constant 0 : index
    %swap3A_329 = memref.load %arg4[%swap3A, %swap3A_328] : memref<1x1xf32, #tpu.memory_space<smem>>
    memref.store %add3A_327, %arg4[%swap3A, %swap3A_328] : memref<1x1xf32, #tpu.memory_space<smem>>
    return
  }
}

module attributes {stable_mosaic.version = 14 : i64} {
  func.func @_tc_dense_body(%arg0: memref<24576xf32, #tpu.memory_space<vmem>>, %arg1: memref<1x1xf32, #tpu.memory_space<smem>>) attributes {dimension_semantics = [], scalar_prefetch = 0 : i64, scratch_operands = 0 : i64, tpu.core_type = #tpu.core_type<tc>} {
    %get3A = arith.constant 0 : index
    %get3A_0 = vector.load %arg0[%get3A] : memref<24576xf32, #tpu.memory_space<vmem>>, vector<24576xf32>
    %neg3A = arith.constant 0.000000e+00 : f32
    %neg3A_1 = vector.broadcast %neg3A : f32 to vector<24576xf32>
    %neg3A_2 = arith.subf %neg3A_1, %get3A_0 : vector<24576xf32>
    %exp3A = math.exp %neg3A_2 : vector<24576xf32>
    %add3A = arith.constant 1.000000e+00 : f32
    %add3A_3 = vector.broadcast %add3A : f32 to vector<24576xf32>
    %add3A_4 = arith.addf %add3A_3, %exp3A : vector<24576xf32>
    %div3A = arith.constant 1.000000e+00 : f32
    %div3A_5 = vector.broadcast %div3A : f32 to vector<24576xf32>
    %div3A_6 = arith.divf %div3A_5, %add3A_4 : vector<24576xf32>
    %max3A = arith.constant 0.000000e+00 : f32
    %max3A_7 = vector.broadcast %max3A : f32 to vector<24576xf32>
    %max3A_8 = arith.maximumf %get3A_0, %max3A_7 : vector<24576xf32>
    %abs3A = math.absf %get3A_0 : vector<24576xf32>
    %neg3A_9 = arith.constant 0.000000e+00 : f32
    %neg3A_10 = vector.broadcast %neg3A_9 : f32 to vector<24576xf32>
    %neg3A_11 = arith.subf %neg3A_10, %abs3A : vector<24576xf32>
    %exp3A_12 = math.exp %neg3A_11 : vector<24576xf32>
    %add3A_13 = arith.constant 1.000000e+00 : f32
    %add3A_14 = vector.broadcast %add3A_13 : f32 to vector<24576xf32>
    %add3A_15 = arith.addf %add3A_14, %exp3A_12 : vector<24576xf32>
    %log3A = math.log %add3A_15 : vector<24576xf32>
    %add3A_16 = arith.addf %max3A_8, %log3A : vector<24576xf32>
    %mul3A = arith.constant 7.500000e-01 : f32
    %mul3A_17 = vector.broadcast %mul3A : f32 to vector<24576xf32>
    %mul3A_18 = arith.mulf %mul3A_17, %div3A_6 : vector<24576xf32>
    %mul3A_19 = arith.mulf %mul3A_18, %div3A_6 : vector<24576xf32>
    %mul3A_20 = arith.mulf %mul3A_19, %add3A_16 : vector<24576xf32>
    %reduce_sum3A = vector.shape_cast %mul3A_20 : vector<24576xf32> to vector<1x24576xf32>
    %reduce_sum3A_21 = arith.constant dense<0.000000e+00> : vector<1xf32>
    %reduce_sum3A_22 = vector.multi_reduction <add>, %reduce_sum3A, %reduce_sum3A_21 [1] : vector<1x24576xf32> to vector<1xf32>
    %reduce_sum3A_23 = vector.shape_cast %reduce_sum3A_22 : vector<1xf32> to vector<1x1xf32>
    %reduce_sum3A_24 = vector.extract %reduce_sum3A_23[0, 0] : f32 from vector<1x1xf32>
    %swap3A = arith.constant 0 : index
    %swap3A_25 = arith.constant 0 : index
    %swap3A_26 = memref.load %arg1[%swap3A, %swap3A_25] : memref<1x1xf32, #tpu.memory_space<smem>>
    memref.store %reduce_sum3A_24, %arg1[%swap3A, %swap3A_25] : memref<1x1xf32, #tpu.memory_space<smem>>
    return
  }
}

</mosaic_0001>

<sc_bundles>
// kernel: kernel.5.cloned.1.call-start
scs
__scs_entry_jumppad:
0x0: {  	(pc) =	sbr.rel $0x88, $3  }
0x1: {  	(tag) =	ssettag $0x0;
	lr =	simm.s32 $0x1  }
0x2: {  	[smem:$0x3F9B] =	sst lr;
	_ =	strace $0xD0000000  }
0x3: {  	_ = 	snop  }
0x4: {  	_ = 	snop  }
0x5: {  	_ = 	snop  }
0x6: {  	_ = 	snop  }
0x7: {  	_ = 	snop  }
__scs_overlays_trampoline_lowered:
0x8: {  	[smem:$0x3FAA] =	sst s0  }
0x9: {  	[smem:$0x3FAB] =	sst s1  }
0xa: {  	[smem:$0x3FAC] =	sst s2  }
0xb: {  	[smem:$0x3FAD] =	sst s3  }
0xc: {  	[smem:$0x3FAE] =	sst s4  }
0xd: {  	[smem:$0x3FAF] =	sst s5  }
0xe: {  	[smem:$0x3FB0] =	sst s6  }
0xf: {  	[smem:$0x3FB1] =	sst s7  }
0x10: {  	[smem:$0x3FB2] =	sst s8  }
0x11: {  	[smem:$0x3FB3] =	sst s9;
	s0 =	simm.s32 @!p0 $0x0  }
0x12: {  	s1 =	sld [smem:$0x3F99];
	s0 =	simm.s32 @p0 $0x1  }
0x13: {  	[smem:$0x3FB4] =	sst s0;
	s0 =	simm.s32 @!p1 $0x0  }
0x14: {  	s2 =	sld [smem:$0x3F98];
	s0 =	simm.s32 @p1 $0x1  }
0x15: {  	[smem:$0x3FB5] =	sst s0;
	s0 =	simm.s32 @!p2 $0x0  }
0x16: {  	s3 =	sld [smem:$0x3FDB];
	s0 =	simm.s32 @p2 $0x1  }
0x17: {  	s4 =	simm.s32 $0x1BF5;
	[smem:$0x3FB7] =	sst s0  }
0x18: {  	s0 =	sld [smem:$0x3F9A];
	_ =	swait.ge [sflag:s4], $0x0  }
0x19: {  	s7 =	sld [smem:$0x3F9B]  }
0x1a: {  	s8 =	sadd.s32 $0xFFFFE003, lr  }
0x1b: {  	s9 =	sadd.s32 $0xFFFFFEF7, lr;
	s5 =	simm.s32 $0xFFFFFFFF;
	p2 =	slt.u32 s8, $0xFFFFF086  }
0x1c: {  	p1 =	slt.u32 s9, $0xF7A;
	s5 =	simm.s32 @!p2 $0x0  }
0x1d: {  	s5 =	simm.s32 @p1 $0x1;
	p0 =	seq.s32 s7, s2  }
0x1e: {  	s7 =	smul.u32 @!p0 $0xF7A, s2;
	p2 =	seq.s32 @!p0 s5, $0x0  }
0x1f: {  	s9 =	smul.u32 $0xF7A, s1;
	s8 =	simm.s32 @!p0 $0x1BF5;
	p2 =	por !p2, p0  }
0x20: {  	[sflag:s8] =	ssyncset.s32 @!p0 $0xFFFFF086;
	s6 =	sadd.s32 @!p0 s3, s7;
	s7 =	simm.s32 @!p0 $0x108  }
0x21: {  	s3 =	sadd.s32 s3, s9;
	s6 =	sadd.s32 @!p0 $0x88, s6;
	s7 =	simm.s32 @p2 $0x1082  }
0x22: {  	[simem:s7], [sflag:s8] =	dma.local @!p0 [hbm:s6], $0xF7A  }
0x23: {  	s9 =	sor.u32 $0xD0000000, s2;
	s6 =	simm.s32 $0x108;
	_ =	swait.ge @!p0 [sflag:s8], $0x0  }
0x24: {  	s3 =	sadd.s32 $0x88, s3;
	s6 =	simm.s32 @!p1 $0x1082;
	[sflag:s4] =	ssyncset.s32 $0xFFFFF086  }
0x25: {  	[simem:s6], [sflag:s4] =	dma.local [hbm:s3], $0xF7A  }
0x26: {  	[smem:$0x3F9B] =	sst s1;
	(tag) =	ssettag s2;
	_ =	strace s9  }
0x27: {  	s1 =	sld [smem:$0x3FAB]  }
0x28: {  	s2 =	sld [smem:$0x3FAC]  }
0x29: {  	s4 =	sld [smem:$0x3FAE]  }
0x2a: {  	p0 =	seq.s32 s5, $0x0;
	s5 =	sld [smem:$0x3FAF]  }
0x2b: {  	s6 =	sld [smem:$0x3FB0]  }
0x2c: {  	s7 =	sld [smem:$0x3FB1]  }
0x2d: {  	s3 =	simm.s32 $0x108;
	s8 =	sld [smem:$0x3FB2]  }
0x2e: {  	s3 =	simm.s32 @!p0 $0x1082;
	s9 =	sld [smem:$0x3FB3]  }
0x2f: {  	lr =	sadd.s32 s0, s3;
	s0 =	sld [smem:$0x3FAA]  }
0x30: {  	s3 =	sld [smem:$0x3FAD]  }
0x31: {  	[smem:$0x3FB6] =	sst s10  }
0x32: {  	s10 =	sld [smem:$0x3FB4];
	_ =	sdelay $0x3  }
0x33: {  	p0 =	seq.s32 s10, $0x1;
	s10 =	sld [smem:$0x3FB6];
	_ =	sdelay $0x3  }
0x34: {  	[smem:$0x3FB6] =	sst s10  }
0x35: {  	s10 =	sld [smem:$0x3FB5];
	_ =	sdelay $0x3  }
0x36: {  	p1 =	seq.s32 s10, $0x1;
	s10 =	sld [smem:$0x3FB6];
	_ =	sdelay $0x3  }
0x37: {  	[smem:$0x3FB6] =	sst s10  }
0x38: {  	s10 =	sld [smem:$0x3FB7]  }
0x39: {  	_ = 	snop;
	(pc) =	sbr.ind lr, $3  }
0x3a: {  	_ = 	snop  }
0x3b: {  	_ = 	snop  }
0x3c: {  	p2 =	seq.s32 s10, $0x1;
	s10 =	sld [smem:$0x3FB6]  }
0x3d: {  	_ =	shalt  }
0x3e: {  	_ =	shalt  }
0x3f: {  	_ =	shalt  }
0x40: {  	_ =	shalt  }
0x41: {  	_ =	shalt  }
0x42: {  	_ =	shalt  }
0x43: {  	_ =	shalt  }
0x44: {  	_ =	shalt  }
0x45: {  	_ =	shalt  }
0x46: {  	_ =	shalt  }
0x47: {  	_ =	shalt  }
0x48: {  	_ =	shalt  }
0x49: {  	_ =	shalt  }
0x4a: {  	_ =	shalt  }
0x4b: {  	_ =	shalt  }
0x4c: {  	_ =	shalt  }
0x4d: {  	_ =	shalt  }
0x4e: {  	_ =	shalt  }
0x4f: {  	_ =	shalt  }
0x50: {  	_ =	shalt  }
0x51: {  	_ =	shalt  }
0x52: {  	_ =	shalt  }
0x53: {  	_ =	shalt  }
0x54: {  	_ =	shalt  }
0x55: {  	_ =	shalt  }
0x56: {  	_ =	shalt  }
0x57: {  	_ =	shalt  }
0x58: {  	_ =	shalt  }
0x59: {  	_ =	shalt  }
0x5a: {  	_ =	shalt  }
0x5b: {  	_ =	shalt  }
0x5c: {  	_ =	shalt  }
0x5d: {  	_ =	shalt  }
0x5e: {  	_ =	shalt  }
0x5f: {  	_ =	shalt  }
0x60: {  	_ =	shalt  }
0x61: {  	_ =	shalt  }
0x62: {  	_ =	shalt  }
0x63: {  	_ =	shalt  }
0x64: {  	_ =	shalt  }
0x65: {  	_ =	shalt  }
0x66: {  	_ =	shalt  }
0x67: {  	_ =	shalt  }
0x68: {  	_ =	shalt  }
0x69: {  	_ =	shalt  }
0x6a: {  	_ =	shalt  }
0x6b: {  	_ =	shalt  }
0x6c: {  	_ =	shalt  }
0x6d: {  	_ =	shalt  }
0x6e: {  	_ =	shalt  }
0x6f: {  	_ =	shalt  }
0x70: {  	_ =	shalt  }
0x71: {  	_ =	shalt  }
0x72: {  	_ =	shalt  }
0x73: {  	_ =	shalt  }
0x74: {  	_ =	shalt  }
0x75: {  	_ =	shalt  }
0x76: {  	_ =	shalt  }
0x77: {  	_ =	shalt  }
0x78: {  	_ =	shalt  }
0x79: {  	_ =	shalt  }
0x7a: {  	_ =	shalt  }
0x7b: {  	_ =	shalt  }
0x7c: {  	_ =	shalt  }
0x7d: {  	_ =	shalt  }
0x7e: {  	_ =	shalt  }
0x7f: {  	_ =	shalt  }
0x80: {  	_ =	shalt  }
0x81: {  	_ =	shalt  }
0x82: {  	_ =	shalt  }
0x83: {  	_ =	shalt  }
0x84: {  	_ =	shalt  }
0x85: {  	_ =	shalt  }
0x86: {  	_ =	shalt  }
0x87: {  	_ =	shalt  }
.Lfunc_end0:
.L_simem_size_0:
called_computation_lowered:
.L_overlay_start_0:
0x88: {  	s2 =	sld [smem:$0x3FD9]  }
0x89: {  	s3 =	sld [smem:$0x3FFE];
	_ =	sdelay $0x1  }
0x8a: {  	s1 =	srdreg.scid  }
0x8b: {  	s0 =	sand.u32 $0x1, s1  }
0x8c: {  	s17 =	sshll.u32 s0, $0xA;
	s2 =	sadd.s32 s3, s2  }
0x8d: {  	s2 =	sadd.s32 s2, s17  }
0x8e: {  	[smem:$0x3FC2] =	sst s2  }
0x8f: {  	_ = 	snop  }
0x90: {  	s2 =	sld [smem:$0x3FC9]  }
0x91: {  	s18 =	sld [smem:$0x3FC8]  }
0x92: {  	s4 =	sld [smem:$0x3FC7]  }
0x93: {  	s5 =	sld [smem:$0x3FC4];
	(tm) =	ssettm $0x1  }
0x94: {  	s6 =	sld [smem:$0x3FFB];
	_ =	sdelay $0x3  }
0x95: {  	_ =	strace s6  }
0x96: {  	s6 =	sld [smem:$0x3FFC];
	_ =	sdelay $0x3  }
0x97: {  	_ =	strace s6  }
0x98: {  	s6 =	sld [smem:$0x3FFD];
	_ =	sdelay $0x3  }
0x99: {  	_ =	strace s6  }
0x9a: {  	_ =	strace $0x8FFFFFFF  }
0x9b: {  	s19 =	sld [smem:$0x3FDB];
	_ =	sdelay $0x1  }
0x9c: {  	s7 =	simm.s32 $_scs_section_size  }
0x9d: {  	s8 =	simm.s32 $_size__tile_overlayer_lowered;
	s9 =	simm.s32 $_tile_overlayer_lowered  }
0x9e: {  	s22 =	simm.s32 $0x1BFF;
	s21 =	sshll.u32 s9, $0x1;
	s6 =	sadd.s32 s7, s19  }
0x9f: {  	s10 =	simm.s32 $0x0;
	s20 =	sshll.u32 s8, $0x1;
	s8 =	sadd.s32 s21, s6  }
0xa0: {  	[timem:s10], [sflag:s22] =	dma.local [hbm:s8], s20  }
0xa1: {  	_ =	swait.ge [sflag:s22], s20  }
0xa2: {  	s7 =	ssub.s32 $0x0, s20;
	[sflag:s22] =	ssyncset.done $0x0  }
0xa3: {  	[sflag:s22] =	ssyncadd.s32 s7;
	_ =	sdelay $0x1  }
0xa4: {  	s23 =	simm.s32 $0x1B8B  }
0xa5: {  	_ =	swait.ge [sflag:s23], $0x1  }
0xa6: {  	[sflag:s23] =	ssyncset.done $0x0  }
0xa7: {  	s25 =	simm.s32 $0x1B8E;
	s24 =	sld [smem:$0x3FFE];
	[sflag:s23] =	ssyncadd.s32 $0xFFFFFFFF  }
0xa8: {  	s26 =	simm.s32 $execute0_lowered;
	[smem:$0x3FD2] =	sst s25  }
0xa9: {  	s8 =	sshll.u32 s26, $0x1;
	_ =	strace $0x80000046;
	[dreg:$0x1] =	wrdreg $0xFFFFFFFF  }
0xaa: {  	s28 =	simm.s32 $_size_execute0_lowered;
	s6 =	sadd.s32 s6, s8;
	[dreg:$0x0] =	wrdreg $0x0  }
0xab: {  	s8 =	sshll.u32 s28, $0x1;
	[dreg:$0x2] =	wrdreg s6  }
0xac: {  	[dreg:$0x3] =	wrdreg s8  }
0xad: {  	[dreg:$0x4] =	wrdreg $0xC0  }
0xae: {  	_ =	task [dreg:s10], $0x5FFFF  }
0xaf: {  	[dreg:$0x1] =	wrdreg $0xFFFFFFFF  }
0xb0: {  	[dreg:$0x0] =	wrdreg $0x60  }
0xb1: {  	[dreg:$0x2] =	wrdreg s18  }
0xb2: {  	[dreg:$0x3] =	wrdreg s4  }
0xb3: {  	[dreg:$0x4] =	wrdreg s2  }
0xb4: {  	[dreg:$0x5] =	wrdreg s5  }
0xb5: {  	[dreg:$0x6] =	wrdreg s24  }
0xb6: {  	[dreg:$0x7] =	wrdreg $0x9  }
0xb7: {  	_ =	task.clear_ibuf [dreg:s10], $0x8FFFF;
	_ =	strace $0x90000046  }
0xb8: {  	s29 =	simm.s32 $0x9;
	_ =	strace $0x80000048  }
0xb9: {  	_ =	swait.ge [sflag:s29], $0x1  }
0xba: {  	[sflag:s29] =	ssyncadd.s32 $0xFFFFFFFF  }
0xbb: {  	_ =	strace $0x90000048  }
0xbc: {  	_ =	sfence  }
0xbd: {  	s30 =	sld [smem:$0x0];
	_ =	sdelay $0x2  }
0xbe: {  	s31 =	sshll.u32 s1, $0xD;
	s1 =	sshrl.u32 s1, $0x2  }
0xbf: {  	s3 =	sand.u32 $0x4000, s31;
	s1 =	sadd.s32 s1, s30  }
0xc0: {  	s0 =	sor.u32 s3, s0;
	s1 =	sshll.u32 s1, $0x11  }
0xc1: {  	s0 =	sor.u32 s1, s0  }
0xc2: {  	s0 =	sadd.s32 $0x8F2B, s0  }
0xc3: {  	[sflag:s0] =	ssyncadd.remote.s32 $0x1  }
0xc4: {  	_ =	sfence.sel $0xFFFF  }
0xc5: {  	[dreg:$0x0] =	wrdreg $0xFFFFFFFF;
	(pc) =	sbr.abs _section_cstart, $3  }
0xc6: {  	[dreg:$0x1] =	wrdreg $0xFFFFFFFF  }
0xc7: {  	_ =	task.clear_ibuf [dreg:s10], $0x2FFFF;
	_ =	strace $0x9FFFFFFF  }
0xc8: {  	(tm) =	ssettm $0x7FFFFFFF  }
0xc9: {  	_ =	shalt  }
tec
execute0_lowered:
.L_overlay_start_1:
0x0: {  	(tag) =	ssettag $0x1  }
0x1: {  	s2 =	srdreg.scid  }
0x2: {  	s0 =	stileid.u32;
	s1 =	rddreg [dreg:$0x0]  }
0x3: {  	s4 =	rddreg [dreg:$0x2];
	s11 =	smul.u32 $0xE00, s0  }
0x4: {  	s5 =	rddreg [dreg:$0x3];
	s14 =	smul.u32 $0x1C0, s0  }
0x5: {  	s9 =	rddreg [dreg:$0x4];
	s6 =	simm.s32 $0x0;
	s31 =	smul.u32 $0x600, s0  }
0x6: {  	s20 =	simm.s32 $0x60;
	s10 =	sand.u32 $0x1, s2;
	s18 =	smul.u32 $0xC0, s0  }
0x7: {  	s21 =	simm.s32 $0x4E0;
	s22 =	simm.s32 $0x700;
	s12 =	smul.u32 $0x700, s10  }
0x8: {  	s23 =	simm.s32 $0x1;
	s24 =	simm.s32 $0x0;
	s16 =	smul.u32 $0xE0, s10  }
0x9: {  	s3 =	sshll.u32 s0, $0x1;
	s2 =	rddreg [dreg:$0x1];
	s17 =	smul.u32 $0x300, s10  }
0xa: {  	[smem:$0x7FF] =	sst s6;
	s3 =	sor.u32 s10, s3;
	s19 =	smul.u32 $0x60, s10  }
0xb: {  	s9 =	sadd.s32 $0xC00, s9;
	s13 =	ssub.s32 $0x2, s10;
	s7 =	smul.u32 $0xE0, s3  }
0xc: {  	s8 =	smul.u32 $0x60, s3;
	s3 =	rddreg [dreg:$0x5];
	s15 =	sshrl.u32 s13, $0x1  }
0xd: {  	_ =	strace $0x80000047;
	s13 =	ssub.s32 s13, s15;
	s11 =	sadd.s32 s12, s11  }
0xe: {  	s12 =	sadd.s32 s16, s14;
	s14 =	sadd.s32 s19, s18;
	s15 =	simm.s32 $0x2  }
0xf: {  	s16 =	simm.s32 $0xE0;
	s18 =	simm.s32 $0x540;
	s19 =	simm.s32 $0x620  }
0x10: {  	s7 =	sshrl.u32 s7, $0x3;
	s8 =	sshrl.u32 s8, $0x3;
	s10 =	smax.u32 s13, $0x1  }
0x11: {  	s13 =	sadd.s32 s17, s31;
	s7 =	sadd.s32 s9, s7;
	s9 =	sadd.s32 s9, s8  }
0x12: {  	s17 =	simm.s32 $0x400;
	s8 =	sadd.s32 $0x380, s7;
	s9 =	sadd.s32 $0x700, s9  }
.LBB2_1:
0x13: {  	[tilespmem:s6], [sflag:$0x2] =	stream.linear.gather [hbm4b:s5+s6], $0x400, $0x38;
	[tilespmem:$0x760] =	vst v63  }
0x14: {  	_ =	swait.ge [sflag:s15], $0x400  }
0x15: {  	[sflag:s15] =	ssyncset.done $0x0  }
0x16: {  	s25 =	sand.u32 $0x3F0, s12;
	[sflag:s15] =	ssyncadd.s32 $0xFFFFFC00  }
0x17: {  	v0 =	vld [tilespmem:s25+$0x0];
	_ =	sdelay $0x3  }
0x18: {  	s31 =	sand.u32 $0x380, s12;
	s26 =	sand.u32 $0x7FFFE000, s11  }
0x19: {  	s25 =	sor.u32 s31, s26;
	v1 =	vshll.u32 v0, $0x3;
	v0 =	vand.u32 $0x7F, v0  }
0x1a: {  	v1 =	vand.u32 $0xFFFFFC00, v1;
	v0 =	vor.u32 s25, v0  }
0x1b: {  	s28 =	simm.s32 $0x0;
	s29 =	simm.s32 $0x80;
	s26 =	sadd.s32 $0x10, s12;
	v0 =	vadd.s32 v1, v0  }
0x1c: {  	s30 =	sand.u32 $0x3F0, s26;
	s25 =	simm.s32 $0x40;
	[tilespmem:s28+$0x400] =	vst v0;
	s28 =	smov.u32 s11  }
.LBB2_2:
0x1d: {  	p0 =	sne.s32 s29, $0x340;
	v0 =	vld [tilespmem:s30+$0x0];
	_ =	sdelay $0x2  }
0x1e: {  	s28 =	sadd.s32 $0x80, s28  }
.Ltmp0:
0x1f: {  	s30 =	sand.u32 $0x380, s26;
	s31 =	sand.u32 $0x7FFFE000, s28;
	(pc) =	sbr.rel @p0 .LBB2_2-.Ltmp0, $4  }
0x20: {  	s30 =	sor.u32 s30, s31;
	v1 =	vshll.u32 v0, $0x3;
	v0 =	vand.u32 $0x7F, v0  }
0x21: {  	v1 =	vand.u32 $0xFFFFFC00, v1;
	v0 =	vor.u32 s30, v0  }
0x22: {  	s26 =	sadd.s32 $0x10, s26;
	s31 =	sshra.s32 s25, $0x2;
	s25 =	smov.u32 s29;
	v0 =	vadd.s32 v1, v0  }
0x23: {  	s29 =	sadd.s32 $0x40, s29;
	s30 =	sand.u32 $0x3F0, s26;
	[tilespmem:s31+$0x400] =	vst v0  }
0x24: {  	v0 =	vld [tilespmem:s30+$0x0];
	_ =	sdelay $0x2  }
0x25: {  	s28 =	sadd.s32 $0x80, s28  }
0x26: {  	s26 =	sand.u32 $0x380, s26;
	s28 =	sand.u32 $0x7FFFE000, s28  }
0x27: {  	s26 =	sor.u32 s26, s28;
	v1 =	vshll.u32 v0, $0x3;
	v0 =	vand.u32 $0x7F, v0  }
0x28: {  	v1 =	vand.u32 $0xFFFFFC00, v1;
	v0 =	vor.u32 s26, v0  }
0x29: {  	s25 =	sshra.s32 s25, $0x2;
	v0 =	vadd.s32 v1, v0  }
0x2a: {  	s31 =	sand.u32 $0x3F0, s14;
	[tilespmem:s25+$0x400] =	vst v0  }
0x2b: {  	v0 =	vld [tilespmem:s31+$0x0];
	_ =	sdelay $0x3  }
0x2c: {  	s26 =	sand.u32 $0x380, s14;
	s31 =	sand.u32 $0x7FFFE000, s13  }
0x2d: {  	s25 =	sor.u32 s26, s31;
	v63 =	vshll.u32 v0, $0x3;
	v0 =	vand.u32 $0x7F, v0  }
0x2e: {  	v1 =	vand.u32 $0xFFFFFC00, v63;
	v0 =	vor.u32 s25, v0  }
0x2f: {  	s29 =	simm.s32 $0x80;
	s28 =	simm.s32 $0x0;
	s26 =	sadd.s32 $0x10, s14;
	v0 =	vadd.s32 v1, v0  }
0x30: {  	s30 =	sand.u32 $0x3F0, s26;
	s25 =	simm.s32 $0x40;
	[tilespmem:s28+$0x4E0] =	vst v0;
	s28 =	smov.u32 s13  }
.LBB2_4:
0x31: {  	p0 =	sne.s32 s29, $0x140;
	v0 =	vld [tilespmem:s30+$0x0];
	_ =	sdelay $0x2  }
0x32: {  	s28 =	sadd.s32 $0x80, s28  }
.Ltmp1:
0x33: {  	s30 =	sand.u32 $0x380, s26;
	s31 =	sand.u32 $0x7FFFE000, s28;
	(pc) =	sbr.rel @p0 .LBB2_4-.Ltmp1, $4  }
0x34: {  	s30 =	sor.u32 s30, s31;
	v1 =	vshll.u32 v0, $0x3;
	v0 =	vand.u32 $0x7F, v0  }
0x35: {  	v1 =	vand.u32 $0xFFFFFC00, v1;
	v0 =	vor.u32 s30, v0  }
0x36: {  	s26 =	sadd.s32 $0x10, s26;
	s31 =	sshra.s32 s25, $0x2;
	s25 =	smov.u32 s29;
	v0 =	vadd.s32 v1, v0  }
0x37: {  	s29 =	sadd.s32 $0x40, s29;
	s30 =	sand.u32 $0x3F0, s26;
	[tilespmem:s31+$0x4E0] =	vst v0  }
0x38: {  	v0 =	vld [tilespmem:s30+$0x0];
	_ =	sdelay $0x2  }
0x39: {  	s28 =	sadd.s32 $0x80, s28  }
0x3a: {  	s26 =	sand.u32 $0x380, s26;
	s28 =	sand.u32 $0x7FFFE000, s28  }
0x3b: {  	s26 =	sor.u32 s26, s28;
	v1 =	vshll.u32 v0, $0x3;
	v0 =	vand.u32 $0x7F, v0  }
0x3c: {  	v1 =	vand.u32 $0xFFFFFC00, v1;
	v0 =	vor.u32 s26, v0  }
0x3d: {  	s25 =	sshra.s32 s25, $0x2;
	v0 =	vadd.s32 v1, v0  }
0x3e: {  	[tilespmem:s25+$0x4E0] =	vst v0  }
0x3f: {  	[tilespmem:s18], [sflag:$0x1] =	stream.indirect.gather [hbm4b:s1+s16], $0x1, s17, s16, $0xb8;
	[tilespmem:$0x760] =	vst v63  }
0x40: {  	_ = 	snop  }
0x41: {  	[tilespmem:s19], [sflag:$0x1] =	stream.indirect.gather [hbm4b:s2+s16], $0x1, s17, s16, $0xb8;
	[tilespmem:$0x760] =	vst v63  }
0x42: {  	_ = 	snop  }
0x43: {  	[tilespmem:s22], [sflag:$0x1] =	stream.indirect.gather [hbm4b:s4+s20], $0x1, s21, s20, $0xb8;
	[tilespmem:$0x760] =	vst v63  }
0x44: {  	_ =	swait.ge [sflag:s23], $0xE0  }
0x45: {  	[sflag:s23] =	ssyncset.done $0x0  }
0x46: {  	[sflag:s23] =	ssyncadd.s32 $0xFFFFFF20  }
0x47: {  	_ =	swait.ge [sflag:s23], $0xE0  }
0x48: {  	[sflag:s23] =	ssyncset.done $0x0  }
0x49: {  	[sflag:s23] =	ssyncadd.s32 $0xFFFFFF20  }
0x4a: {  	_ =	swait.ge [sflag:s23], $0x60  }
0x4b: {  	[sflag:s23] =	ssyncset.done $0x0  }
0x4c: {  	[sflag:s23] =	ssyncadd.s32 $0xFFFFFFA0  }
0x4d: {  	[hbm4b:s7+s6] =	stream.linear.scatter [tilespmem:s18], [sflag:$0x2], $0xE0, $0x38;
	[tilespmem:$0x760] =	vst v63  }
0x4e: {  	_ =	swait.ge [sflag:s15], $0xE0  }
0x4f: {  	[sflag:s15] =	ssyncset.done $0x0  }
0x50: {  	[sflag:s15] =	ssyncadd.s32 $0xFFFFFF20  }
0x51: {  	[hbm4b:s8+s6] =	stream.linear.scatter [tilespmem:s19], [sflag:$0x2], $0xE0, $0x38;
	[tilespmem:$0x760] =	vst v63  }
0x52: {  	s24 =	sadd.s32 $0x1, s24;
	_ =	swait.ge [sflag:s15], $0xE0  }
0x53: {  	p0 =	sne.s32 s24, s10;
	[sflag:s15] =	ssyncset.done $0x0  }
.Ltmp2:
0x54: {  	[sflag:s15] =	ssyncadd.s32 $0xFFFFFF20;
	(pc) =	sbr.rel @p0 .LBB2_1-.Ltmp2, $4  }
0x55: {  	[hbm4b:s9+s6] =	stream.linear.scatter [tilespmem:s22], [sflag:$0x2], $0x60, $0x38;
	[tilespmem:$0x760] =	vst v63  }
0x56: {  	_ =	swait.ge [sflag:s15], $0x60  }
0x57: {  	[sflag:s15] =	ssyncset.done $0x0  }
0x58: {  	[sflag:s15] =	ssyncadd.s32 $0xFFFFFFA0  }
0x59: {  	_ =	sfence.sel $0x180000  }
0x5a: {  	[bflag:$0x0] =	sbarrier.arrive $0xFFFF  }
0x5b: {  	p0 =	sne.s32 s0, $0x0;
	_ =	strace $0x90000047  }
0x5c: {  	s0 =	sadd.s32 @!p0 $0x100000, s3;
	[bflag:$0x2] =	sbarrier.arrive $0xFFFF  }
0x5d: {  	[sflag:s0] =	ssyncadd.tile.s32 @!p0 $0x1;
	_ =	shalt  }
.Lfunc_end2:
_tile_overlayer_lowered:
.L_overlay_start_2:
0x5e: {  	(tag) =	ssettag $0x2  }
0x5f: {  	s0 =	rddreg [dreg:$0x0];
	s2 =	stileid.u32  }
0x60: {  	s1 =	rddreg [dreg:$0x1];
	p0 =	sne.s32 s2, $0x0  }
0x61: {  	s3 =	rddreg [dreg:$0x2];
	[bflag:$0x3] =	sbarrier.arrive $0xFFFF;
	s2 =	simm.s32 @!p0 $0x1C02  }
0x62: {  	[timem:s3], [sflag:s2] =	dma.local @!p0 [hbm:s0], s1  }
0x63: {  	s0 =	simm.s32 @!p0 $0x2  }
0x64: {  	_ =	swait.ge @!p0 [sflag:s0], s1  }
0x65: {  	s1 =	ssub.s32 @!p0 $0x0, s1;
	[sflag:s0] =	ssyncset.done @!p0 $0x0  }
0x66: {  	[sflag:s0] =	ssyncadd.s32 @!p0 s1  }
0x67: {  	[bflag:$0x3] =	sbarrier.arrive $0xFFFF  }
0x68: {  	_ =	shalt  }

</sc_bundles>
